<compile_context>
chip_gen: v7x
topology: tpu7x:2x2x1
jax: 0.10.2.dev20260603
libtpu: 0.0.44.dev20260713+nightly
codegen_flags: <defaults>
</compile_context>

<pallas_src>
import functools

import jax
import jax.numpy as jnp
from jax import lax
from jax.experimental import pallas as pl
from jax.experimental.pallas import tpu as pltpu
from jax.experimental.pallas import tpu_sc as plsc

_N_EXPERTS = 8
_TOP_K = 2
_AUX_COEF = 0.01
_LANES = 128
_TILE = 2048
_NW = 32
_L = 16


def _logits_body(h_ref, w_ref, o_ref):
    logits_t = jax.lax.dot_general(
        w_ref[...], h_ref[...],
        dimension_numbers=(((1,), (1,)), ((), ())),
        preferred_element_type=jnp.float32)
    o_ref[...] = logits_t[:_N_EXPERTS, :]


def _stats_body(pc_ref, aux_ref, load_ref, n_total):
    rows = jnp.sum(pc_ref[...], axis=0, keepdims=True)
    lr = jax.lax.broadcasted_iota(jnp.int32, rows.shape, 1)
    cnt = jnp.zeros_like(rows)
    for e in range(_N_EXPERTS):
        blk = jnp.logical_and(lr >= e * _L, lr < (e + 1) * _L)
        tot = jnp.sum(jnp.where(blk, rows, 0.0))
        cnt = cnt + jnp.where(lr == e, tot, 0.0)
    load = cnt / jnp.float32(n_total * _TOP_K)
    lvalid = lr < _N_EXPERTS
    mean = jnp.sum(jnp.where(lvalid, load, 0.0)) / _N_EXPERTS
    var = jnp.sum(jnp.where(lvalid, (load - mean) ** 2, 0.0)) / _N_EXPERTS
    cv_sq = var / (mean * mean + 1e-9)
    aux_ref[...] = jnp.full(aux_ref.shape, _AUX_COEF * cv_sq, jnp.float32)
    load_ref[...] = load


def _sc_router(logits_flat, n):
    chunk = n // _NW
    groups = chunk // _L
    mesh = plsc.VectorSubcoreMesh(core_axis_name="c", subcore_axis_name="s")

    @functools.partial(
        pl.kernel,
        out_type=(
            jax.ShapeDtypeStruct((n,), jnp.int32),
            jax.ShapeDtypeStruct((n,), jnp.int32),
            jax.ShapeDtypeStruct((n,), jnp.float32),
            jax.ShapeDtypeStruct((n,), jnp.float32),
            jax.ShapeDtypeStruct((_NW, _LANES), jnp.float32),
        ),
        mesh=mesh,
        scratch_types=[
            pltpu.VMEM((chunk * _N_EXPERTS,), jnp.float32),
            pltpu.VMEM((chunk,), jnp.int32),
            pltpu.VMEM((chunk,), jnp.int32),
            pltpu.VMEM((chunk,), jnp.float32),
            pltpu.VMEM((chunk,), jnp.float32),
            pltpu.VMEM((_LANES,), jnp.float32),
        ],
    )
    def sc_router(lg_hbm, i1_hbm, i2_hbm, p1_hbm, p2_hbm, pc_hbm,
                  lg_v, i1_v, i2_v, p1_v, p2_v, cnt_v):
        wid = lax.axis_index("s") * 2 + lax.axis_index("c")
        base = wid * chunk
        for e in range(_N_EXPERTS):
            pltpu.sync_copy(lg_hbm.at[pl.ds(e * n + base, chunk)],
                            lg_v.at[pl.ds(e * chunk, chunk)])
        iota = lax.iota(jnp.int32, _L)
        zero16 = jnp.zeros((_L,), jnp.float32)
        neg_big = jnp.float32(-3.0e38)

        def body(g, accs):
            off = g * _L
            ls = [lg_v[pl.ds(e * chunk + off, _L)]
                  for e in range(_N_EXPERTS)]
            m = ls[0]
            for e in range(1, _N_EXPERTS):
                m = jnp.maximum(m, ls[e])
            i1 = jnp.full((_L,), _N_EXPERTS, jnp.int32)
            for e in range(_N_EXPERTS - 1, -1, -1):
                i1 = jnp.where(ls[e] == m, jnp.int32(e), i1)
            v2 = jnp.full((_L,), neg_big, jnp.float32)
            for e in range(_N_EXPERTS):
                v2 = jnp.maximum(v2, jnp.where(i1 == e, neg_big, ls[e]))
            i2 = jnp.full((_L,), _N_EXPERTS, jnp.int32)
            for e in range(_N_EXPERTS - 1, -1, -1):
                hit2 = jnp.logical_and(ls[e] == v2, i1 != e)
                i2 = jnp.where(hit2, jnp.int32(e), i2)
            s = zero16
            for e in range(_N_EXPERTS):
                s = s + jnp.exp(ls[e] - m)
            i1_v[pl.ds(off, _L)] = i1
            i2_v[pl.ds(off, _L)] = i2
            p1_v[pl.ds(off, _L)] = 1.0 / s
            p2_v[pl.ds(off, _L)] = jnp.exp(v2 - m) / s
            new_accs = []
            for e in range(_N_EXPERTS):
                hit = jnp.logical_or(i1 == e, i2 == e)
                new_accs.append(accs[e] + jnp.where(hit, 1.0, 0.0))
            return tuple(new_accs)

        accs = lax.fori_loop(0, groups, body,
                             tuple(zero16 for _ in range(_N_EXPERTS)))
        for e in range(_N_EXPERTS):
            cnt_v[pl.ds(e * _L, _L)] = accs[e]
        pltpu.sync_copy(i1_v, i1_hbm.at[pl.ds(base, chunk)])
        pltpu.sync_copy(i2_v, i2_hbm.at[pl.ds(base, chunk)])
        pltpu.sync_copy(p1_v, p1_hbm.at[pl.ds(base, chunk)])
        pltpu.sync_copy(p2_v, p2_hbm.at[pl.ds(base, chunk)])
        pltpu.sync_copy(cnt_v, pc_hbm.at[wid])

    return sc_router(logits_flat)


def kernel(hidden_states, gate_weight):
    n, d = hidden_states.shape
    tile = _TILE
    wpad = jnp.pad(gate_weight, ((0, _LANES - _N_EXPERTS), (0, 0)))
    logits_t = pl.pallas_call(
        _logits_body,
        grid=(n // tile,),
        in_specs=[
            pl.BlockSpec((tile, d), lambda i: (i, 0)),
            pl.BlockSpec((_LANES, d), lambda i: (0, 0)),
        ],
        out_specs=pl.BlockSpec((_N_EXPERTS, tile), lambda i: (0, i)),
        out_shape=jax.ShapeDtypeStruct((_N_EXPERTS, n), jnp.float32),
    )(hidden_states, wpad)
    i1, i2, p1, p2, partials = _sc_router(logits_t.reshape(-1), n)
    aux, loadp = pl.pallas_call(
        functools.partial(_stats_body, n_total=n),
        out_shape=(
            jax.ShapeDtypeStruct((1, _LANES), jnp.float32),
            jax.ShapeDtypeStruct((1, _LANES), jnp.float32),
        ),
    )(partials)
    idx = jnp.stack([i1, i2], axis=1)
    prob = jnp.stack([p1, p2], axis=1)
    return (idx, prob, aux[0, 0], loadp[0, :_N_EXPERTS])

# --- scband reference (transcript-rebuilt; emitter-appended) ---
"""Pipeline reference for scband-mo-erouter-65687229825641 (READ-ONLY COPY).

The authoritative reference and input builder live on the scoring server;
editing this copy changes nothing except your own understanding.
"""

import jax, jax.numpy as jnp
import numpy as np

N_EXPERTS = 8
TOP_K = 2
D_MODEL = 768
N_TOKENS = 32768
AUX_LOSS_COEF = 0.01


def setup_inputs(seed: int = 0) -> dict:
    key = jax.random.key(seed)
    k1, k2 = jax.random.split(key)
    hidden_states = jax.random.normal(k1, (N_TOKENS, D_MODEL), dtype=jnp.float32)
    gate_weight = jax.random.normal(k2, (N_EXPERTS, D_MODEL), dtype=jnp.float32) * 0.02
    return {"hidden_states": hidden_states, "gate_weight": gate_weight}


def reference(hidden_states, gate_weight):
    # gate: Linear(d_model -> n_experts, bias=False)
    logits = hidden_states @ gate_weight.T
    # eval mode: jitter_noise path skipped (jitter_noise == 0.0 and not training)
    probs = jax.nn.softmax(logits, axis=-1)
    top_probs, top_indices = jax.lax.top_k(probs, TOP_K)
    n_tokens = hidden_states.shape[0]
    # scatter_add of ones over expert ids (done per-k in torch; equivalent flattened)
    expert_counts = jnp.zeros(N_EXPERTS, dtype=hidden_states.dtype).at[top_indices.reshape(-1)].add(1.0)
    load = expert_counts / (n_tokens * TOP_K)
    mean_load = load.mean()
    variance = ((load - mean_load) ** 2).mean()
    cv_sq = variance / (mean_load ** 2 + 1e-09)
    aux_loss = AUX_LOSS_COEF * cv_sq
    return (top_indices, top_probs, aux_loss, load)

if __name__ == "__main__":
    import jax
    _d = setup_inputs()
    print(jax.jit(kernel)(*tuple(_d.values())))

</pallas_src>

<mosaic_0001>
#map = affine_map<(d0, d1) -> (0)>
#map1 = affine_map<(d0, d1) -> (0, 0)>
module attributes {stable_mosaic.version = 14 : i64} {
  func.func @sc_router(%arg0: i32, %arg1: i32, %arg2: memref<262144xf32, #tpu.memory_space<hbm>>, %arg3: memref<32768xi32, #tpu.memory_space<hbm>>, %arg4: memref<32768xi32, #tpu.memory_space<hbm>>, %arg5: memref<32768xf32, #tpu.memory_space<hbm>>, %arg6: memref<32768xf32, #tpu.memory_space<hbm>>, %arg7: memref<32x128xf32, #tpu.memory_space<hbm>>, %arg8: memref<8192xf32, #tpu.memory_space<vmem>>, %arg9: memref<1024xi32, #tpu.memory_space<vmem>>, %arg10: memref<1024xi32, #tpu.memory_space<vmem>>, %arg11: memref<1024xf32, #tpu.memory_space<vmem>>, %arg12: memref<1024xf32, #tpu.memory_space<vmem>>, %arg13: memref<128xf32, #tpu.memory_space<vmem>>) attributes {dimension_semantics = [#tpu.dimension_semantics<core_parallel>, #tpu.dimension_semantics<subcore_parallel>], iteration_bounds = array<i64: 2, 16>, scalar_prefetch = 0 : i64, scratch_operands = 6 : i64, tpu.core_type = #tpu.core_type<sc_vector_subcore>, window_params = [{transform_indices = #map}, {transform_indices = #map}, {transform_indices = #map}, {transform_indices = #map}, {transform_indices = #map}, {transform_indices = #map1}]} {
    %mul3A = arith.constant 2 : i32
    %mul3A_0 = arith.muli %arg1, %mul3A : i32
    %add3A = arith.addi %mul3A_0, %arg0 : i32
    %mul3A_1 = arith.constant 1024 : i32
    %mul3A_2 = arith.muli %add3A, %mul3A_1 : i32
    %add3A_3 = arith.constant 0 : i32
    %add3A_4 = arith.addi %add3A_3, %mul3A_2 : i32
    "tpu.region"() ({
      %run_scoped3A = tpu.sem_alloc : memref<!tpu.dma_semaphore, #tpu.memory_space<semaphore_mem>>
      %dma_start3A = arith.constant 0 : i32
      %dma_start3A_57 = tpu.memref_slice %arg8[%dma_start3A] : memref<8192xf32, #tpu.memory_space<vmem>> -> memref<1024xf32, #tpu.memory_space<vmem>>
      %dma_start3A_58 = tpu.memref_slice %arg2[%add3A_4] : memref<262144xf32, #tpu.memory_space<hbm>> -> memref<1024xf32, #tpu.memory_space<hbm>>
      %dma_start3A_59 = arith.constant 0 : i32
      %dma_start3A_60 = tpu.memref_slice %arg8[%dma_start3A_59] : memref<8192xf32, #tpu.memory_space<vmem>> -> memref<1024xf32, #tpu.memory_space<vmem>>
      %dma_start3A_61 = tpu.memref_slice %arg2[%add3A_4] : memref<262144xf32, #tpu.memory_space<hbm>> -> memref<1024xf32, #tpu.memory_space<hbm>>
      tpu.enqueue_dma source(%dma_start3A_61 : memref<1024xf32, #tpu.memory_space<hbm>>) target(%dma_start3A_60 : memref<1024xf32, #tpu.memory_space<vmem>>) target_semaphore(%run_scoped3A : memref<!tpu.dma_semaphore, #tpu.memory_space<semaphore_mem>>)
      %dma_wait3A = arith.constant 0 : i32
      %dma_wait3A_62 = tpu.memref_slice %arg8[%dma_wait3A] : memref<8192xf32, #tpu.memory_space<vmem>> -> memref<1024xf32, #tpu.memory_space<vmem>>
      %dma_wait3A_63 = tpu.memref_slice %arg2[%add3A_4] : memref<262144xf32, #tpu.memory_space<hbm>> -> memref<1024xf32, #tpu.memory_space<hbm>>
      %dma_wait3A_64 = arith.constant 0 : i32
      %dma_wait3A_65 = tpu.memref_slice %arg8[%dma_wait3A_64] : memref<8192xf32, #tpu.memory_space<vmem>> -> memref<1024xf32, #tpu.memory_space<vmem>>
      %dma_wait3A_66 = tpu.memref_slice %arg2[%add3A_4] : memref<262144xf32, #tpu.memory_space<hbm>> -> memref<1024xf32, #tpu.memory_space<hbm>>
      tpu.wait_dma2 semaphore(%run_scoped3A : memref<!tpu.dma_semaphore, #tpu.memory_space<semaphore_mem>>) src(%dma_wait3A_66 : memref<1024xf32, #tpu.memory_space<hbm>>) dst(%dma_wait3A_65 : memref<1024xf32, #tpu.memory_space<vmem>>)
      tpu.yield
    }) : () -> ()
    %add3A_5 = arith.constant 32768 : i32
    %add3A_6 = arith.addi %add3A_5, %mul3A_2 : i32
    "tpu.region"() ({
      %run_scoped3A = tpu.sem_alloc : memref<!tpu.dma_semaphore, #tpu.memory_space<semaphore_mem>>
      %dma_start3A = arith.constant 1024 : i32
      %dma_start3A_57 = tpu.memref_slice %arg8[%dma_start3A] : memref<8192xf32, #tpu.memory_space<vmem>> -> memref<1024xf32, #tpu.memory_space<vmem>>
      %dma_start3A_58 = tpu.memref_slice %arg2[%add3A_6] : memref<262144xf32, #tpu.memory_space<hbm>> -> memref<1024xf32, #tpu.memory_space<hbm>>
      %dma_start3A_59 = arith.constant 1024 : i32
      %dma_start3A_60 = tpu.memref_slice %arg8[%dma_start3A_59] : memref<8192xf32, #tpu.memory_space<vmem>> -> memref<1024xf32, #tpu.memory_space<vmem>>
      %dma_start3A_61 = tpu.memref_slice %arg2[%add3A_6] : memref<262144xf32, #tpu.memory_space<hbm>> -> memref<1024xf32, #tpu.memory_space<hbm>>
      tpu.enqueue_dma source(%dma_start3A_61 : memref<1024xf32, #tpu.memory_space<hbm>>) target(%dma_start3A_60 : memref<1024xf32, #tpu.memory_space<vmem>>) target_semaphore(%run_scoped3A : memref<!tpu.dma_semaphore, #tpu.memory_space<semaphore_mem>>)
      %dma_wait3A = arith.constant 1024 : i32
      %dma_wait3A_62 = tpu.memref_slice %arg8[%dma_wait3A] : memref<8192xf32, #tpu.memory_space<vmem>> -> memref<1024xf32, #tpu.memory_space<vmem>>
      %dma_wait3A_63 = tpu.memref_slice %arg2[%add3A_6] : memref<262144xf32, #tpu.memory_space<hbm>> -> memref<1024xf32, #tpu.memory_space<hbm>>
      %dma_wait3A_64 = arith.constant 1024 : i32
      %dma_wait3A_65 = tpu.memref_slice %arg8[%dma_wait3A_64] : memref<8192xf32, #tpu.memory_space<vmem>> -> memref<1024xf32, #tpu.memory_space<vmem>>
      %dma_wait3A_66 = tpu.memref_slice %arg2[%add3A_6] : memref<262144xf32, #tpu.memory_space<hbm>> -> memref<1024xf32, #tpu.memory_space<hbm>>
      tpu.wait_dma2 semaphore(%run_scoped3A : memref<!tpu.dma_semaphore, #tpu.memory_space<semaphore_mem>>) src(%dma_wait3A_66 : memref<1024xf32, #tpu.memory_space<hbm>>) dst(%dma_wait3A_65 : memref<1024xf32, #tpu.memory_space<vmem>>)
      tpu.yield
    }) : () -> ()
    %add3A_7 = arith.constant 65536 : i32
    %add3A_8 = arith.addi %add3A_7, %mul3A_2 : i32
    "tpu.region"() ({
      %run_scoped3A = tpu.sem_alloc : memref<!tpu.dma_semaphore, #tpu.memory_space<semaphore_mem>>
      %dma_start3A = arith.constant 2048 : i32
      %dma_start3A_57 = tpu.memref_slice %arg8[%dma_start3A] : memref<8192xf32, #tpu.memory_space<vmem>> -> memref<1024xf32, #tpu.memory_space<vmem>>
      %dma_start3A_58 = tpu.memref_slice %arg2[%add3A_8] : memref<262144xf32, #tpu.memory_space<hbm>> -> memref<1024xf32, #tpu.memory_space<hbm>>
      %dma_start3A_59 = arith.constant 2048 : i32
      %dma_start3A_60 = tpu.memref_slice %arg8[%dma_start3A_59] : memref<8192xf32, #tpu.memory_space<vmem>> -> memref<1024xf32, #tpu.memory_space<vmem>>
      %dma_start3A_61 = tpu.memref_slice %arg2[%add3A_8] : memref<262144xf32, #tpu.memory_space<hbm>> -> memref<1024xf32, #tpu.memory_space<hbm>>
      tpu.enqueue_dma source(%dma_start3A_61 : memref<1024xf32, #tpu.memory_space<hbm>>) target(%dma_start3A_60 : memref<1024xf32, #tpu.memory_space<vmem>>) target_semaphore(%run_scoped3A : memref<!tpu.dma_semaphore, #tpu.memory_space<semaphore_mem>>)
      %dma_wait3A = arith.constant 2048 : i32
      %dma_wait3A_62 = tpu.memref_slice %arg8[%dma_wait3A] : memref<8192xf32, #tpu.memory_space<vmem>> -> memref<1024xf32, #tpu.memory_space<vmem>>
      %dma_wait3A_63 = tpu.memref_slice %arg2[%add3A_8] : memref<262144xf32, #tpu.memory_space<hbm>> -> memref<1024xf32, #tpu.memory_space<hbm>>
      %dma_wait3A_64 = arith.constant 2048 : i32
      %dma_wait3A_65 = tpu.memref_slice %arg8[%dma_wait3A_64] : memref<8192xf32, #tpu.memory_space<vmem>> -> memref<1024xf32, #tpu.memory_space<vmem>>
      %dma_wait3A_66 = tpu.memref_slice %arg2[%add3A_8] : memref<262144xf32, #tpu.memory_space<hbm>> -> memref<1024xf32, #tpu.memory_space<hbm>>
      tpu.wait_dma2 semaphore(%run_scoped3A : memref<!tpu.dma_semaphore, #tpu.memory_space<semaphore_mem>>) src(%dma_wait3A_66 : memref<1024xf32, #tpu.memory_space<hbm>>) dst(%dma_wait3A_65 : memref<1024xf32, #tpu.memory_space<vmem>>)
      tpu.yield
    }) : () -> ()
    %add3A_9 = arith.constant 98304 : i32
    %add3A_10 = arith.addi %add3A_9, %mul3A_2 : i32
    "tpu.region"() ({
      %run_scoped3A = tpu.sem_alloc : memref<!tpu.dma_semaphore, #tpu.memory_space<semaphore_mem>>
      %dma_start3A = arith.constant 3072 : i32
      %dma_start3A_57 = tpu.memref_slice %arg8[%dma_start3A] : memref<8192xf32, #tpu.memory_space<vmem>> -> memref<1024xf32, #tpu.memory_space<vmem>>
      %dma_start3A_58 = tpu.memref_slice %arg2[%add3A_10] : memref<262144xf32, #tpu.memory_space<hbm>> -> memref<1024xf32, #tpu.memory_space<hbm>>
      %dma_start3A_59 = arith.constant 3072 : i32
      %dma_start3A_60 = tpu.memref_slice %arg8[%dma_start3A_59] : memref<8192xf32, #tpu.memory_space<vmem>> -> memref<1024xf32, #tpu.memory_space<vmem>>
      %dma_start3A_61 = tpu.memref_slice %arg2[%add3A_10] : memref<262144xf32, #tpu.memory_space<hbm>> -> memref<1024xf32, #tpu.memory_space<hbm>>
      tpu.enqueue_dma source(%dma_start3A_61 : memref<1024xf32, #tpu.memory_space<hbm>>) target(%dma_start3A_60 : memref<1024xf32, #tpu.memory_space<vmem>>) target_semaphore(%run_scoped3A : memref<!tpu.dma_semaphore, #tpu.memory_space<semaphore_mem>>)
      %dma_wait3A = arith.constant 3072 : i32
      %dma_wait3A_62 = tpu.memref_slice %arg8[%dma_wait3A] : memref<8192xf32, #tpu.memory_space<vmem>> -> memref<1024xf32, #tpu.memory_space<vmem>>
      %dma_wait3A_63 = tpu.memref_slice %arg2[%add3A_10] : memref<262144xf32, #tpu.memory_space<hbm>> -> memref<1024xf32, #tpu.memory_space<hbm>>
      %dma_wait3A_64 = arith.constant 3072 : i32
      %dma_wait3A_65 = tpu.memref_slice %arg8[%dma_wait3A_64] : memref<8192xf32, #tpu.memory_space<vmem>> -> memref<1024xf32, #tpu.memory_space<vmem>>
      %dma_wait3A_66 = tpu.memref_slice %arg2[%add3A_10] : memref<262144xf32, #tpu.memory_space<hbm>> -> memref<1024xf32, #tpu.memory_space<hbm>>
      tpu.wait_dma2 semaphore(%run_scoped3A : memref<!tpu.dma_semaphore, #tpu.memory_space<semaphore_mem>>) src(%dma_wait3A_66 : memref<1024xf32, #tpu.memory_space<hbm>>) dst(%dma_wait3A_65 : memref<1024xf32, #tpu.memory_space<vmem>>)
      tpu.yield
    }) : () -> ()
    %add3A_11 = arith.constant 131072 : i32
    %add3A_12 = arith.addi %add3A_11, %mul3A_2 : i32
    "tpu.region"() ({
      %run_scoped3A = tpu.sem_alloc : memref<!tpu.dma_semaphore, #tpu.memory_space<semaphore_mem>>
      %dma_start3A = arith.constant 4096 : i32
      %dma_start3A_57 = tpu.memref_slice %arg8[%dma_start3A] : memref<8192xf32, #tpu.memory_space<vmem>> -> memref<1024xf32, #tpu.memory_space<vmem>>
      %dma_start3A_58 = tpu.memref_slice %arg2[%add3A_12] : memref<262144xf32, #tpu.memory_space<hbm>> -> memref<1024xf32, #tpu.memory_space<hbm>>
      %dma_start3A_59 = arith.constant 4096 : i32
      %dma_start3A_60 = tpu.memref_slice %arg8[%dma_start3A_59] : memref<8192xf32, #tpu.memory_space<vmem>> -> memref<1024xf32, #tpu.memory_space<vmem>>
      %dma_start3A_61 = tpu.memref_slice %arg2[%add3A_12] : memref<262144xf32, #tpu.memory_space<hbm>> -> memref<1024xf32, #tpu.memory_space<hbm>>
      tpu.enqueue_dma source(%dma_start3A_61 : memref<1024xf32, #tpu.memory_space<hbm>>) target(%dma_start3A_60 : memref<1024xf32, #tpu.memory_space<vmem>>) target_semaphore(%run_scoped3A : memref<!tpu.dma_semaphore, #tpu.memory_space<semaphore_mem>>)
      %dma_wait3A = arith.constant 4096 : i32
      %dma_wait3A_62 = tpu.memref_slice %arg8[%dma_wait3A] : memref<8192xf32, #tpu.memory_space<vmem>> -> memref<1024xf32, #tpu.memory_space<vmem>>
      %dma_wait3A_63 = tpu.memref_slice %arg2[%add3A_12] : memref<262144xf32, #tpu.memory_space<hbm>> -> memref<1024xf32, #tpu.memory_space<hbm>>
      %dma_wait3A_64 = arith.constant 4096 : i32
      %dma_wait3A_65 = tpu.memref_slice %arg8[%dma_wait3A_64] : memref<8192xf32, #tpu.memory_space<vmem>> -> memref<1024xf32, #tpu.memory_space<vmem>>
      %dma_wait3A_66 = tpu.memref_slice %arg2[%add3A_12] : memref<262144xf32, #tpu.memory_space<hbm>> -> memref<1024xf32, #tpu.memory_space<hbm>>
      tpu.wait_dma2 semaphore(%run_scoped3A : memref<!tpu.dma_semaphore, #tpu.memory_space<semaphore_mem>>) src(%dma_wait3A_66 : memref<1024xf32, #tpu.memory_space<hbm>>) dst(%dma_wait3A_65 : memref<1024xf32, #tpu.memory_space<vmem>>)
      tpu.yield
    }) : () -> ()
    %add3A_13 = arith.constant 163840 : i32
    %add3A_14 = arith.addi %add3A_13, %mul3A_2 : i32
    "tpu.region"() ({
      %run_scoped3A = tpu.sem_alloc : memref<!tpu.dma_semaphore, #tpu.memory_space<semaphore_mem>>
      %dma_start3A = arith.constant 5120 : i32
      %dma_start3A_57 = tpu.memref_slice %arg8[%dma_start3A] : memref<8192xf32, #tpu.memory_space<vmem>> -> memref<1024xf32, #tpu.memory_space<vmem>>
      %dma_start3A_58 = tpu.memref_slice %arg2[%add3A_14] : memref<262144xf32, #tpu.memory_space<hbm>> -> memref<1024xf32, #tpu.memory_space<hbm>>
      %dma_start3A_59 = arith.constant 5120 : i32
      %dma_start3A_60 = tpu.memref_slice %arg8[%dma_start3A_59] : memref<8192xf32, #tpu.memory_space<vmem>> -> memref<1024xf32, #tpu.memory_space<vmem>>
      %dma_start3A_61 = tpu.memref_slice %arg2[%add3A_14] : memref<262144xf32, #tpu.memory_space<hbm>> -> memref<1024xf32, #tpu.memory_space<hbm>>
      tpu.enqueue_dma source(%dma_start3A_61 : memref<1024xf32, #tpu.memory_space<hbm>>) target(%dma_start3A_60 : memref<1024xf32, #tpu.memory_space<vmem>>) target_semaphore(%run_scoped3A : memref<!tpu.dma_semaphore, #tpu.memory_space<semaphore_mem>>)
      %dma_wait3A = arith.constant 5120 : i32
      %dma_wait3A_62 = tpu.memref_slice %arg8[%dma_wait3A] : memref<8192xf32, #tpu.memory_space<vmem>> -> memref<1024xf32, #tpu.memory_space<vmem>>
      %dma_wait3A_63 = tpu.memref_slice %arg2[%add3A_14] : memref<262144xf32, #tpu.memory_space<hbm>> -> memref<1024xf32, #tpu.memory_space<hbm>>
      %dma_wait3A_64 = arith.constant 5120 : i32
      %dma_wait3A_65 = tpu.memref_slice %arg8[%dma_wait3A_64] : memref<8192xf32, #tpu.memory_space<vmem>> -> memref<1024xf32, #tpu.memory_space<vmem>>
      %dma_wait3A_66 = tpu.memref_slice %arg2[%add3A_14] : memref<262144xf32, #tpu.memory_space<hbm>> -> memref<1024xf32, #tpu.memory_space<hbm>>
      tpu.wait_dma2 semaphore(%run_scoped3A : memref<!tpu.dma_semaphore, #tpu.memory_space<semaphore_mem>>) src(%dma_wait3A_66 : memref<1024xf32, #tpu.memory_space<hbm>>) dst(%dma_wait3A_65 : memref<1024xf32, #tpu.memory_space<vmem>>)
      tpu.yield
    }) : () -> ()
    %add3A_15 = arith.constant 196608 : i32
    %add3A_16 = arith.addi %add3A_15, %mul3A_2 : i32
    "tpu.region"() ({
      %run_scoped3A = tpu.sem_alloc : memref<!tpu.dma_semaphore, #tpu.memory_space<semaphore_mem>>
      %dma_start3A = arith.constant 6144 : i32
      %dma_start3A_57 = tpu.memref_slice %arg8[%dma_start3A] : memref<8192xf32, #tpu.memory_space<vmem>> -> memref<1024xf32, #tpu.memory_space<vmem>>
      %dma_start3A_58 = tpu.memref_slice %arg2[%add3A_16] : memref<262144xf32, #tpu.memory_space<hbm>> -> memref<1024xf32, #tpu.memory_space<hbm>>
      %dma_start3A_59 = arith.constant 6144 : i32
      %dma_start3A_60 = tpu.memref_slice %arg8[%dma_start3A_59] : memref<8192xf32, #tpu.memory_space<vmem>> -> memref<1024xf32, #tpu.memory_space<vmem>>
      %dma_start3A_61 = tpu.memref_slice %arg2[%add3A_16] : memref<262144xf32, #tpu.memory_space<hbm>> -> memref<1024xf32, #tpu.memory_space<hbm>>
      tpu.enqueue_dma source(%dma_start3A_61 : memref<1024xf32, #tpu.memory_space<hbm>>) target(%dma_start3A_60 : memref<1024xf32, #tpu.memory_space<vmem>>) target_semaphore(%run_scoped3A : memref<!tpu.dma_semaphore, #tpu.memory_space<semaphore_mem>>)
      %dma_wait3A = arith.constant 6144 : i32
      %dma_wait3A_62 = tpu.memref_slice %arg8[%dma_wait3A] : memref<8192xf32, #tpu.memory_space<vmem>> -> memref<1024xf32, #tpu.memory_space<vmem>>
      %dma_wait3A_63 = tpu.memref_slice %arg2[%add3A_16] : memref<262144xf32, #tpu.memory_space<hbm>> -> memref<1024xf32, #tpu.memory_space<hbm>>
      %dma_wait3A_64 = arith.constant 6144 : i32
      %dma_wait3A_65 = tpu.memref_slice %arg8[%dma_wait3A_64] : memref<8192xf32, #tpu.memory_space<vmem>> -> memref<1024xf32, #tpu.memory_space<vmem>>
      %dma_wait3A_66 = tpu.memref_slice %arg2[%add3A_16] : memref<262144xf32, #tpu.memory_space<hbm>> -> memref<1024xf32, #tpu.memory_space<hbm>>
      tpu.wait_dma2 semaphore(%run_scoped3A : memref<!tpu.dma_semaphore, #tpu.memory_space<semaphore_mem>>) src(%dma_wait3A_66 : memref<1024xf32, #tpu.memory_space<hbm>>) dst(%dma_wait3A_65 : memref<1024xf32, #tpu.memory_space<vmem>>)
      tpu.yield
    }) : () -> ()
    %add3A_17 = arith.constant 229376 : i32
    %add3A_18 = arith.addi %add3A_17, %mul3A_2 : i32
    "tpu.region"() ({
      %run_scoped3A = tpu.sem_alloc : memref<!tpu.dma_semaphore, #tpu.memory_space<semaphore_mem>>
      %dma_start3A = arith.constant 7168 : i32
      %dma_start3A_57 = tpu.memref_slice %arg8[%dma_start3A] : memref<8192xf32, #tpu.memory_space<vmem>> -> memref<1024xf32, #tpu.memory_space<vmem>>
      %dma_start3A_58 = tpu.memref_slice %arg2[%add3A_18] : memref<262144xf32, #tpu.memory_space<hbm>> -> memref<1024xf32, #tpu.memory_space<hbm>>
      %dma_start3A_59 = arith.constant 7168 : i32
      %dma_start3A_60 = tpu.memref_slice %arg8[%dma_start3A_59] : memref<8192xf32, #tpu.memory_space<vmem>> -> memref<1024xf32, #tpu.memory_space<vmem>>
      %dma_start3A_61 = tpu.memref_slice %arg2[%add3A_18] : memref<262144xf32, #tpu.memory_space<hbm>> -> memref<1024xf32, #tpu.memory_space<hbm>>
      tpu.enqueue_dma source(%dma_start3A_61 : memref<1024xf32, #tpu.memory_space<hbm>>) target(%dma_start3A_60 : memref<1024xf32, #tpu.memory_space<vmem>>) target_semaphore(%run_scoped3A : memref<!tpu.dma_semaphore, #tpu.memory_space<semaphore_mem>>)
      %dma_wait3A = arith.constant 7168 : i32
      %dma_wait3A_62 = tpu.memref_slice %arg8[%dma_wait3A] : memref<8192xf32, #tpu.memory_space<vmem>> -> memref<1024xf32, #tpu.memory_space<vmem>>
      %dma_wait3A_63 = tpu.memref_slice %arg2[%add3A_18] : memref<262144xf32, #tpu.memory_space<hbm>> -> memref<1024xf32, #tpu.memory_space<hbm>>
      %dma_wait3A_64 = arith.constant 7168 : i32
      %dma_wait3A_65 = tpu.memref_slice %arg8[%dma_wait3A_64] : memref<8192xf32, #tpu.memory_space<vmem>> -> memref<1024xf32, #tpu.memory_space<vmem>>
      %dma_wait3A_66 = tpu.memref_slice %arg2[%add3A_18] : memref<262144xf32, #tpu.memory_space<hbm>> -> memref<1024xf32, #tpu.memory_space<hbm>>
      tpu.wait_dma2 semaphore(%run_scoped3A : memref<!tpu.dma_semaphore, #tpu.memory_space<semaphore_mem>>) src(%dma_wait3A_66 : memref<1024xf32, #tpu.memory_space<hbm>>) dst(%dma_wait3A_65 : memref<1024xf32, #tpu.memory_space<vmem>>)
      tpu.yield
    }) : () -> ()
    %iota3A = tpu.iota {dimensions = array<i32: 0>} : vector<16xi32>
    %broadcast_in_dim3A = arith.constant 0.000000e+00 : f32
    %broadcast_in_dim3A_19 = vector.broadcast %broadcast_in_dim3A : f32 to vector<16xf32>
    %scan3A = arith.constant -3.000000e+38 : f32
    %scan3A_20 = arith.constant 0 : i32
    %scan3A_21 = arith.constant 64 : i32
    %scan3A_22 = arith.addi %scan3A_20, %scan3A_21 : i32
    %scan3A_23 = arith.constant 1 : i32
    %scan3A_24:8 = scf.for %scan3A_57 = %scan3A_20 to %scan3A_22 step %scan3A_23 iter_args(%scan3A_58 = %broadcast_in_dim3A_19, %scan3A_59 = %broadcast_in_dim3A_19, %scan3A_60 = %broadcast_in_dim3A_19, %scan3A_61 = %broadcast_in_dim3A_19, %scan3A_62 = %broadcast_in_dim3A_19, %scan3A_63 = %broadcast_in_dim3A_19, %scan3A_64 = %broadcast_in_dim3A_19, %scan3A_65 = %broadcast_in_dim3A_19) -> (vector<16xf32>, vector<16xf32>, vector<16xf32>, vector<16xf32>, vector<16xf32>, vector<16xf32>, vector<16xf32>, vector<16xf32>)  : i32 {
      %mul3A_66 = arith.constant 16 : i32
      %mul3A_67 = arith.muli %scan3A_57, %mul3A_66 : i32
      %add3A_68 = arith.constant 0 : i32
      %add3A_69 = arith.addi %add3A_68, %mul3A_67 : i32
      %get3A = arith.index_cast %add3A_69 : i32 to index
      %get3A_70 = tpu.vector_load %arg8[%get3A] {strides = array<i32>} : memref<8192xf32, #tpu.memory_space<vmem>>, vector<16xf32>,
      %get3A_71 = vector.shape_cast %get3A_70 : vector<16xf32> to vector<16xf32>
      %add3A_72 = arith.constant 1024 : i32
      %add3A_73 = arith.addi %add3A_72, %mul3A_67 : i32
      %get3A_74 = arith.index_cast %add3A_73 : i32 to index
      %get3A_75 = tpu.vector_load %arg8[%get3A_74] {strides = array<i32>} : memref<8192xf32, #tpu.memory_space<vmem>>, vector<16xf32>,
      %get3A_76 = vector.shape_cast %get3A_75 : vector<16xf32> to vector<16xf32>
      %add3A_77 = arith.constant 2048 : i32
      %add3A_78 = arith.addi %add3A_77, %mul3A_67 : i32
      %get3A_79 = arith.index_cast %add3A_78 : i32 to index
      %get3A_80 = tpu.vector_load %arg8[%get3A_79] {strides = array<i32>} : memref<8192xf32, #tpu.memory_space<vmem>>, vector<16xf32>,
      %get3A_81 = vector.shape_cast %get3A_80 : vector<16xf32> to vector<16xf32>
      %add3A_82 = arith.constant 3072 : i32
      %add3A_83 = arith.addi %add3A_82, %mul3A_67 : i32
      %get3A_84 = arith.index_cast %add3A_83 : i32 to index
      %get3A_85 = tpu.vector_load %arg8[%get3A_84] {strides = array<i32>} : memref<8192xf32, #tpu.memory_space<vmem>>, vector<16xf32>,
      %get3A_86 = vector.shape_cast %get3A_85 : vector<16xf32> to vector<16xf32>
      %add3A_87 = arith.constant 4096 : i32
      %add3A_88 = arith.addi %add3A_87, %mul3A_67 : i32
      %get3A_89 = arith.index_cast %add3A_88 : i32 to index
      %get3A_90 = tpu.vector_load %arg8[%get3A_89] {strides = array<i32>} : memref<8192xf32, #tpu.memory_space<vmem>>, vector<16xf32>,
      %get3A_91 = vector.shape_cast %get3A_90 : vector<16xf32> to vector<16xf32>
      %add3A_92 = arith.constant 5120 : i32
      %add3A_93 = arith.addi %add3A_92, %mul3A_67 : i32
      %get3A_94 = arith.index_cast %add3A_93 : i32 to index
      %get3A_95 = tpu.vector_load %arg8[%get3A_94] {strides = array<i32>} : memref<8192xf32, #tpu.memory_space<vmem>>, vector<16xf32>,
      %get3A_96 = vector.shape_cast %get3A_95 : vector<16xf32> to vector<16xf32>
      %add3A_97 = arith.constant 6144 : i32
      %add3A_98 = arith.addi %add3A_97, %mul3A_67 : i32
      %get3A_99 = arith.index_cast %add3A_98 : i32 to index
      %get3A_100 = tpu.vector_load %arg8[%get3A_99] {strides = array<i32>} : memref<8192xf32, #tpu.memory_space<vmem>>, vector<16xf32>,
      %get3A_101 = vector.shape_cast %get3A_100 : vector<16xf32> to vector<16xf32>
      %add3A_102 = arith.constant 7168 : i32
      %add3A_103 = arith.addi %add3A_102, %mul3A_67 : i32
      %get3A_104 = arith.index_cast %add3A_103 : i32 to index
      %get3A_105 = tpu.vector_load %arg8[%get3A_104] {strides = array<i32>} : memref<8192xf32, #tpu.memory_space<vmem>>, vector<16xf32>,
      %get3A_106 = vector.shape_cast %get3A_105 : vector<16xf32> to vector<16xf32>
      %max3A = arith.maximumf %get3A_71, %get3A_76 : vector<16xf32>
      %max3A_107 = arith.maximumf %max3A, %get3A_81 : vector<16xf32>
      %max3A_108 = arith.maximumf %max3A_107, %get3A_86 : vector<16xf32>
      %max3A_109 = arith.maximumf %max3A_108, %get3A_91 : vector<16xf32>
      %max3A_110 = arith.maximumf %max3A_109, %get3A_96 : vector<16xf32>
      %max3A_111 = arith.maximumf %max3A_110, %get3A_101 : vector<16xf32>
      %max3A_112 = arith.maximumf %max3A_111, %get3A_106 : vector<16xf32>
      %broadcast_in_dim3A_113 = arith.constant 8 : i32
      %broadcast_in_dim3A_114 = vector.broadcast %broadcast_in_dim3A_113 : i32 to vector<16xi32>
      %eq3A = arith.cmpf oeq, %get3A_106, %max3A_112 : vector<16xf32>
      %jit3A = arith.constant 7 : i32
      %broadcast_in_dim3A_115 = vector.broadcast %jit3A : i32 to vector<16xi32>
      %select_n3A = arith.select %eq3A, %broadcast_in_dim3A_115, %broadcast_in_dim3A_114 : vector<16xi1>, vector<16xi32>
      %eq3A_116 = arith.cmpf oeq, %get3A_101, %max3A_112 : vector<16xf32>
      %jit3A_117 = arith.constant 6 : i32
      %broadcast_in_dim3A_118 = vector.broadcast %jit3A_117 : i32 to vector<16xi32>
      %select_n3A_119 = arith.select %eq3A_116, %broadcast_in_dim3A_118, %select_n3A : vector<16xi1>, vector<16xi32>
      %eq3A_120 = arith.cmpf oeq, %get3A_96, %max3A_112 : vector<16xf32>
      %jit3A_121 = arith.constant 5 : i32
      %broadcast_in_dim3A_122 = vector.broadcast %jit3A_121 : i32 to vector<16xi32>
      %select_n3A_123 = arith.select %eq3A_120, %broadcast_in_dim3A_122, %select_n3A_119 : vector<16xi1>, vector<16xi32>
      %eq3A_124 = arith.cmpf oeq, %get3A_91, %max3A_112 : vector<16xf32>
      %jit3A_125 = arith.constant 4 : i32
      %broadcast_in_dim3A_126 = vector.broadcast %jit3A_125 : i32 to vector<16xi32>
      %select_n3A_127 = arith.select %eq3A_124, %broadcast_in_dim3A_126, %select_n3A_123 : vector<16xi1>, vector<16xi32>
      %eq3A_128 = arith.cmpf oeq, %get3A_86, %max3A_112 : vector<16xf32>
      %jit3A_129 = arith.constant 3 : i32
      %broadcast_in_dim3A_130 = vector.broadcast %jit3A_129 : i32 to vector<16xi32>
      %select_n3A_131 = arith.select %eq3A_128, %broadcast_in_dim3A_130, %select_n3A_127 : vector<16xi1>, vector<16xi32>
      %eq3A_132 = arith.cmpf oeq, %get3A_81, %max3A_112 : vector<16xf32>
      %jit3A_133 = arith.constant 2 : i32
      %broadcast_in_dim3A_134 = vector.broadcast %jit3A_133 : i32 to vector<16xi32>
      %select_n3A_135 = arith.select %eq3A_132, %broadcast_in_dim3A_134, %select_n3A_131 : vector<16xi1>, vector<16xi32>
      %eq3A_136 = arith.cmpf oeq, %get3A_76, %max3A_112 : vector<16xf32>
      %jit3A_137 = arith.constant 1 : i32
      %broadcast_in_dim3A_138 = vector.broadcast %jit3A_137 : i32 to vector<16xi32>
      %select_n3A_139 = arith.select %eq3A_136, %broadcast_in_dim3A_138, %select_n3A_135 : vector<16xi1>, vector<16xi32>
      %eq3A_140 = arith.cmpf oeq, %get3A_71, %max3A_112 : vector<16xf32>
      %jit3A_141 = arith.constant 0 : i32
      %broadcast_in_dim3A_142 = vector.broadcast %jit3A_141 : i32 to vector<16xi32>
      %select_n3A_143 = arith.select %eq3A_140, %broadcast_in_dim3A_142, %select_n3A_139 : vector<16xi1>, vector<16xi32>
      %broadcast_in_dim3A_144 = vector.broadcast %scan3A : f32 to vector<16xf32>
      %eq3A_145 = arith.constant 0 : i32
      %eq3A_146 = vector.broadcast %eq3A_145 : i32 to vector<16xi32>
      %eq3A_147 = arith.cmpi eq, %select_n3A_143, %eq3A_146 : vector<16xi32>
      %broadcast_in_dim3A_148 = vector.broadcast %scan3A : f32 to vector<16xf32>
      %select_n3A_149 = arith.select %eq3A_147, %broadcast_in_dim3A_148, %get3A_71 : vector<16xi1>, vector<16xf32>
      %max3A_150 = arith.maximumf %broadcast_in_dim3A_144, %select_n3A_149 : vector<16xf32>
      %eq3A_151 = arith.constant 1 : i32
      %eq3A_152 = vector.broadcast %eq3A_151 : i32 to vector<16xi32>
      %eq3A_153 = arith.cmpi eq, %select_n3A_143, %eq3A_152 : vector<16xi32>
      %broadcast_in_dim3A_154 = vector.broadcast %scan3A : f32 to vector<16xf32>
      %select_n3A_155 = arith.select %eq3A_153, %broadcast_in_dim3A_154, %get3A_76 : vector<16xi1>, vector<16xf32>
      %max3A_156 = arith.maximumf %max3A_150, %select_n3A_155 : vector<16xf32>
      %eq3A_157 = arith.constant 2 : i32
      %eq3A_158 = vector.broadcast %eq3A_157 : i32 to vector<16xi32>
      %eq3A_159 = arith.cmpi eq, %select_n3A_143, %eq3A_158 : vector<16xi32>
      %broadcast_in_dim3A_160 = vector.broadcast %scan3A : f32 to vector<16xf32>
      %select_n3A_161 = arith.select %eq3A_159, %broadcast_in_dim3A_160, %get3A_81 : vector<16xi1>, vector<16xf32>
      %max3A_162 = arith.maximumf %max3A_156, %select_n3A_161 : vector<16xf32>
      %eq3A_163 = arith.constant 3 : i32
      %eq3A_164 = vector.broadcast %eq3A_163 : i32 to vector<16xi32>
      %eq3A_165 = arith.cmpi eq, %select_n3A_143, %eq3A_164 : vector<16xi32>
      %broadcast_in_dim3A_166 = vector.broadcast %scan3A : f32 to vector<16xf32>
      %select_n3A_167 = arith.select %eq3A_165, %broadcast_in_dim3A_166, %get3A_86 : vector<16xi1>, vector<16xf32>
      %max3A_168 = arith.maximumf %max3A_162, %select_n3A_167 : vector<16xf32>
      %eq3A_169 = arith.constant 4 : i32
      %eq3A_170 = vector.broadcast %eq3A_169 : i32 to vector<16xi32>
      %eq3A_171 = arith.cmpi eq, %select_n3A_143, %eq3A_170 : vector<16xi32>
      %broadcast_in_dim3A_172 = vector.broadcast %scan3A : f32 to vector<16xf32>
      %select_n3A_173 = arith.select %eq3A_171, %broadcast_in_dim3A_172, %get3A_91 : vector<16xi1>, vector<16xf32>
      %max3A_174 = arith.maximumf %max3A_168, %select_n3A_173 : vector<16xf32>
      %eq3A_175 = arith.constant 5 : i32
      %eq3A_176 = vector.broadcast %eq3A_175 : i32 to vector<16xi32>
      %eq3A_177 = arith.cmpi eq, %select_n3A_143, %eq3A_176 : vector<16xi32>
      %broadcast_in_dim3A_178 = vector.broadcast %scan3A : f32 to vector<16xf32>
      %select_n3A_179 = arith.select %eq3A_177, %broadcast_in_dim3A_178, %get3A_96 : vector<16xi1>, vector<16xf32>
      %max3A_180 = arith.maximumf %max3A_174, %select_n3A_179 : vector<16xf32>
      %eq3A_181 = arith.constant 6 : i32
      %eq3A_182 = vector.broadcast %eq3A_181 : i32 to vector<16xi32>
      %eq3A_183 = arith.cmpi eq, %select_n3A_143, %eq3A_182 : vector<16xi32>
      %broadcast_in_dim3A_184 = vector.broadcast %scan3A : f32 to vector<16xf32>
      %select_n3A_185 = arith.select %eq3A_183, %broadcast_in_dim3A_184, %get3A_101 : vector<16xi1>, vector<16xf32>
      %max3A_186 = arith.maximumf %max3A_180, %select_n3A_185 : vector<16xf32>
      %eq3A_187 = arith.constant 7 : i32
      %eq3A_188 = vector.broadcast %eq3A_187 : i32 to vector<16xi32>
      %eq3A_189 = arith.cmpi eq, %select_n3A_143, %eq3A_188 : vector<16xi32>
      %broadcast_in_dim3A_190 = vector.broadcast %scan3A : f32 to vector<16xf32>
      %select_n3A_191 = arith.select %eq3A_189, %broadcast_in_dim3A_190, %get3A_106 : vector<16xi1>, vector<16xf32>
      %max3A_192 = arith.maximumf %max3A_186, %select_n3A_191 : vector<16xf32>
      %broadcast_in_dim3A_193 = arith.constant 8 : i32
      %broadcast_in_dim3A_194 = vector.broadcast %broadcast_in_dim3A_193 : i32 to vector<16xi32>
      %eq3A_195 = arith.cmpf oeq, %get3A_106, %max3A_192 : vector<16xf32>
      %ne3A = arith.constant 7 : i32
      %ne3A_196 = vector.broadcast %ne3A : i32 to vector<16xi32>
      %ne3A_197 = arith.cmpi ne, %select_n3A_143, %ne3A_196 : vector<16xi32>
      %and3A = arith.andi %eq3A_195, %ne3A_197 : vector<16xi1>
      %jit3A_198 = arith.constant 7 : i32
      %broadcast_in_dim3A_199 = vector.broadcast %jit3A_198 : i32 to vector<16xi32>
      %select_n3A_200 = arith.select %and3A, %broadcast_in_dim3A_199, %broadcast_in_dim3A_194 : vector<16xi1>, vector<16xi32>
      %eq3A_201 = arith.cmpf oeq, %get3A_101, %max3A_192 : vector<16xf32>
      %ne3A_202 = arith.constant 6 : i32
      %ne3A_203 = vector.broadcast %ne3A_202 : i32 to vector<16xi32>
      %ne3A_204 = arith.cmpi ne, %select_n3A_143, %ne3A_203 : vector<16xi32>
      %and3A_205 = arith.andi %eq3A_201, %ne3A_204 : vector<16xi1>
      %jit3A_206 = arith.constant 6 : i32
      %broadcast_in_dim3A_207 = vector.broadcast %jit3A_206 : i32 to vector<16xi32>
      %select_n3A_208 = arith.select %and3A_205, %broadcast_in_dim3A_207, %select_n3A_200 : vector<16xi1>, vector<16xi32>
      %eq3A_209 = arith.cmpf oeq, %get3A_96, %max3A_192 : vector<16xf32>
      %ne3A_210 = arith.constant 5 : i32
      %ne3A_211 = vector.broadcast %ne3A_210 : i32 to vector<16xi32>
      %ne3A_212 = arith.cmpi ne, %select_n3A_143, %ne3A_211 : vector<16xi32>
      %and3A_213 = arith.andi %eq3A_209, %ne3A_212 : vector<16xi1>
      %jit3A_214 = arith.constant 5 : i32
      %broadcast_in_dim3A_215 = vector.broadcast %jit3A_214 : i32 to vector<16xi32>
      %select_n3A_216 = arith.select %and3A_213, %broadcast_in_dim3A_215, %select_n3A_208 : vector<16xi1>, vector<16xi32>
      %eq3A_217 = arith.cmpf oeq, %get3A_91, %max3A_192 : vector<16xf32>
      %ne3A_218 = arith.constant 4 : i32
      %ne3A_219 = vector.broadcast %ne3A_218 : i32 to vector<16xi32>
      %ne3A_220 = arith.cmpi ne, %select_n3A_143, %ne3A_219 : vector<16xi32>
      %and3A_221 = arith.andi %eq3A_217, %ne3A_220 : vector<16xi1>
      %jit3A_222 = arith.constant 4 : i32
      %broadcast_in_dim3A_223 = vector.broadcast %jit3A_222 : i32 to vector<16xi32>
      %select_n3A_224 = arith.select %and3A_221, %broadcast_in_dim3A_223, %select_n3A_216 : vector<16xi1>, vector<16xi32>
      %eq3A_225 = arith.cmpf oeq, %get3A_86, %max3A_192 : vector<16xf32>
      %ne3A_226 = arith.constant 3 : i32
      %ne3A_227 = vector.broadcast %ne3A_226 : i32 to vector<16xi32>
      %ne3A_228 = arith.cmpi ne, %select_n3A_143, %ne3A_227 : vector<16xi32>
      %and3A_229 = arith.andi %eq3A_225, %ne3A_228 : vector<16xi1>
      %jit3A_230 = arith.constant 3 : i32
      %broadcast_in_dim3A_231 = vector.broadcast %jit3A_230 : i32 to vector<16xi32>
      %select_n3A_232 = arith.select %and3A_229, %broadcast_in_dim3A_231, %select_n3A_224 : vector<16xi1>, vector<16xi32>
      %eq3A_233 = arith.cmpf oeq, %get3A_81, %max3A_192 : vector<16xf32>
      %ne3A_234 = arith.constant 2 : i32
      %ne3A_235 = vector.broadcast %ne3A_234 : i32 to vector<16xi32>
      %ne3A_236 = arith.cmpi ne, %select_n3A_143, %ne3A_235 : vector<16xi32>
      %and3A_237 = arith.andi %eq3A_233, %ne3A_236 : vector<16xi1>
      %jit3A_238 = arith.constant 2 : i32
      %broadcast_in_dim3A_239 = vector.broadcast %jit3A_238 : i32 to vector<16xi32>
      %select_n3A_240 = arith.select %and3A_237, %broadcast_in_dim3A_239, %select_n3A_232 : vector<16xi1>, vector<16xi32>
      %eq3A_241 = arith.cmpf oeq, %get3A_76, %max3A_192 : vector<16xf32>
      %ne3A_242 = arith.constant 1 : i32
      %ne3A_243 = vector.broadcast %ne3A_242 : i32 to vector<16xi32>
      %ne3A_244 = arith.cmpi ne, %select_n3A_143, %ne3A_243 : vector<16xi32>
      %and3A_245 = arith.andi %eq3A_241, %ne3A_244 : vector<16xi1>
      %jit3A_246 = arith.constant 1 : i32
      %broadcast_in_dim3A_247 = vector.broadcast %jit3A_246 : i32 to vector<16xi32>
      %select_n3A_248 = arith.select %and3A_245, %broadcast_in_dim3A_247, %select_n3A_240 : vector<16xi1>, vector<16xi32>
      %eq3A_249 = arith.cmpf oeq, %get3A_71, %max3A_192 : vector<16xf32>
      %ne3A_250 = arith.constant 0 : i32
      %ne3A_251 = vector.broadcast %ne3A_250 : i32 to vector<16xi32>
      %ne3A_252 = arith.cmpi ne, %select_n3A_143, %ne3A_251 : vector<16xi32>
      %and3A_253 = arith.andi %eq3A_249, %ne3A_252 : vector<16xi1>
      %jit3A_254 = arith.constant 0 : i32
      %broadcast_in_dim3A_255 = vector.broadcast %jit3A_254 : i32 to vector<16xi32>
      %select_n3A_256 = arith.select %and3A_253, %broadcast_in_dim3A_255, %select_n3A_248 : vector<16xi1>, vector<16xi32>
      %sub3A = arith.subf %get3A_71, %max3A_112 : vector<16xf32>
      %exp3A = math.exp %sub3A : vector<16xf32>
      %add3A_257 = arith.addf %broadcast_in_dim3A_19, %exp3A : vector<16xf32>
      %sub3A_258 = arith.subf %get3A_76, %max3A_112 : vector<16xf32>
      %exp3A_259 = math.exp %sub3A_258 : vector<16xf32>
      %add3A_260 = arith.addf %add3A_257, %exp3A_259 : vector<16xf32>
      %sub3A_261 = arith.subf %get3A_81, %max3A_112 : vector<16xf32>
      %exp3A_262 = math.exp %sub3A_261 : vector<16xf32>
      %add3A_263 = arith.addf %add3A_260, %exp3A_262 : vector<16xf32>
      %sub3A_264 = arith.subf %get3A_86, %max3A_112 : vector<16xf32>
      %exp3A_265 = math.exp %sub3A_264 : vector<16xf32>
      %add3A_266 = arith.addf %add3A_263, %exp3A_265 : vector<16xf32>
      %sub3A_267 = arith.subf %get3A_91, %max3A_112 : vector<16xf32>
      %exp3A_268 = math.exp %sub3A_267 : vector<16xf32>
      %add3A_269 = arith.addf %add3A_266, %exp3A_268 : vector<16xf32>
      %sub3A_270 = arith.subf %get3A_96, %max3A_112 : vector<16xf32>
      %exp3A_271 = math.exp %sub3A_270 : vector<16xf32>
      %add3A_272 = arith.addf %add3A_269, %exp3A_271 : vector<16xf32>
      %sub3A_273 = arith.subf %get3A_101, %max3A_112 : vector<16xf32>
      %exp3A_274 = math.exp %sub3A_273 : vector<16xf32>
      %add3A_275 = arith.addf %add3A_272, %exp3A_274 : vector<16xf32>
      %sub3A_276 = arith.subf %get3A_106, %max3A_112 : vector<16xf32>
      %exp3A_277 = math.exp %sub3A_276 : vector<16xf32>
      %add3A_278 = arith.addf %add3A_275, %exp3A_277 : vector<16xf32>
      %swap3A_279 = arith.index_cast %mul3A_67 : i32 to index
      %swap3A_280 = tpu.vector_load %arg9[%swap3A_279] {strides = array<i32>} : memref<1024xi32, #tpu.memory_space<vmem>>, vector<16xi32>,
      %swap3A_281 = vector.shape_cast %swap3A_280 : vector<16xi32> to vector<16xi32>
      %swap3A_282 = vector.shape_cast %select_n3A_143 : vector<16xi32> to vector<16xi32>
      tpu.vector_store %arg9[%swap3A_279], %swap3A_282 {strides = array<i32>} : memref<1024xi32, #tpu.memory_space<vmem>>, vector<16xi32>,
      %swap3A_283 = arith.index_cast %mul3A_67 : i32 to index
      %swap3A_284 = tpu.vector_load %arg10[%swap3A_283] {strides = array<i32>} : memref<1024xi32, #tpu.memory_space<vmem>>, vector<16xi32>,
      %swap3A_285 = vector.shape_cast %swap3A_284 : vector<16xi32> to vector<16xi32>
      %swap3A_286 = vector.shape_cast %select_n3A_256 : vector<16xi32> to vector<16xi32>
      tpu.vector_store %arg10[%swap3A_283], %swap3A_286 {strides = array<i32>} : memref<1024xi32, #tpu.memory_space<vmem>>, vector<16xi32>,
      %div3A = arith.constant 1.000000e+00 : f32
      %div3A_287 = vector.broadcast %div3A : f32 to vector<16xf32>
      %div3A_288 = arith.divf %div3A_287, %add3A_278 : vector<16xf32>
      %swap3A_289 = arith.index_cast %mul3A_67 : i32 to index
      %swap3A_290 = tpu.vector_load %arg11[%swap3A_289] {strides = array<i32>} : memref<1024xf32, #tpu.memory_space<vmem>>, vector<16xf32>,
      %swap3A_291 = vector.shape_cast %swap3A_290 : vector<16xf32> to vector<16xf32>
      %swap3A_292 = vector.shape_cast %div3A_288 : vector<16xf32> to vector<16xf32>
      tpu.vector_store %arg11[%swap3A_289], %swap3A_292 {strides = array<i32>} : memref<1024xf32, #tpu.memory_space<vmem>>, vector<16xf32>,
      %sub3A_293 = arith.subf %max3A_192, %max3A_112 : vector<16xf32>
      %exp3A_294 = math.exp %sub3A_293 : vector<16xf32>
      %div3A_295 = arith.divf %exp3A_294, %add3A_278 : vector<16xf32>
      %swap3A_296 = arith.index_cast %mul3A_67 : i32 to index
      %swap3A_297 = tpu.vector_load %arg12[%swap3A_296] {strides = array<i32>} : memref<1024xf32, #tpu.memory_space<vmem>>, vector<16xf32>,
      %swap3A_298 = vector.shape_cast %swap3A_297 : vector<16xf32> to vector<16xf32>
      %swap3A_299 = vector.shape_cast %div3A_295 : vector<16xf32> to vector<16xf32>
      tpu.vector_store %arg12[%swap3A_296], %swap3A_299 {strides = array<i32>} : memref<1024xf32, #tpu.memory_space<vmem>>, vector<16xf32>,
      %eq3A_300 = arith.constant 0 : i32
      %eq3A_301 = vector.broadcast %eq3A_300 : i32 to vector<16xi32>
      %eq3A_302 = arith.cmpi eq, %select_n3A_143, %eq3A_301 : vector<16xi32>
      %eq3A_303 = arith.constant 0 : i32
      %eq3A_304 = vector.broadcast %eq3A_303 : i32 to vector<16xi32>
      %eq3A_305 = arith.cmpi eq, %select_n3A_256, %eq3A_304 : vector<16xi32>
      %or3A = arith.ori %eq3A_302, %eq3A_305 : vector<16xi1>
      %jit3A_306 = arith.constant 1.000000e+00 : f32
      %jit3A_307 = arith.constant 0.000000e+00 : f32
      %broadcast_in_dim3A_308 = vector.broadcast %jit3A_306 : f32 to vector<16xf32>
      %broadcast_in_dim3A_309 = vector.broadcast %jit3A_307 : f32 to vector<16xf32>
      %select_n3A_310 = arith.select %or3A, %broadcast_in_dim3A_308, %broadcast_in_dim3A_309 : vector<16xi1>, vector<16xf32>
      %add3A_311 = arith.addf %scan3A_58, %select_n3A_310 : vector<16xf32>
      %eq3A_312 = arith.constant 1 : i32
      %eq3A_313 = vector.broadcast %eq3A_312 : i32 to vector<16xi32>
      %eq3A_314 = arith.cmpi eq, %select_n3A_143, %eq3A_313 : vector<16xi32>
      %eq3A_315 = arith.constant 1 : i32
      %eq3A_316 = vector.broadcast %eq3A_315 : i32 to vector<16xi32>
      %eq3A_317 = arith.cmpi eq, %select_n3A_256, %eq3A_316 : vector<16xi32>
      %or3A_318 = arith.ori %eq3A_314, %eq3A_317 : vector<16xi1>
      %jit3A_319 = arith.constant 1.000000e+00 : f32
      %jit3A_320 = arith.constant 0.000000e+00 : f32
      %broadcast_in_dim3A_321 = vector.broadcast %jit3A_319 : f32 to vector<16xf32>
      %broadcast_in_dim3A_322 = vector.broadcast %jit3A_320 : f32 to vector<16xf32>
      %select_n3A_323 = arith.select %or3A_318, %broadcast_in_dim3A_321, %broadcast_in_dim3A_322 : vector<16xi1>, vector<16xf32>
      %add3A_324 = arith.addf %scan3A_59, %select_n3A_323 : vector<16xf32>
      %eq3A_325 = arith.constant 2 : i32
      %eq3A_326 = vector.broadcast %eq3A_325 : i32 to vector<16xi32>
      %eq3A_327 = arith.cmpi eq, %select_n3A_143, %eq3A_326 : vector<16xi32>
      %eq3A_328 = arith.constant 2 : i32
      %eq3A_329 = vector.broadcast %eq3A_328 : i32 to vector<16xi32>
      %eq3A_330 = arith.cmpi eq, %select_n3A_256, %eq3A_329 : vector<16xi32>
      %or3A_331 = arith.ori %eq3A_327, %eq3A_330 : vector<16xi1>
      %jit3A_332 = arith.constant 1.000000e+00 : f32
      %jit3A_333 = arith.constant 0.000000e+00 : f32
      %broadcast_in_dim3A_334 = vector.broadcast %jit3A_332 : f32 to vector<16xf32>
      %broadcast_in_dim3A_335 = vector.broadcast %jit3A_333 : f32 to vector<16xf32>
      %select_n3A_336 = arith.select %or3A_331, %broadcast_in_dim3A_334, %broadcast_in_dim3A_335 : vector<16xi1>, vector<16xf32>
      %add3A_337 = arith.addf %scan3A_60, %select_n3A_336 : vector<16xf32>
      %eq3A_338 = arith.constant 3 : i32
      %eq3A_339 = vector.broadcast %eq3A_338 : i32 to vector<16xi32>
      %eq3A_340 = arith.cmpi eq, %select_n3A_143, %eq3A_339 : vector<16xi32>
      %eq3A_341 = arith.constant 3 : i32
      %eq3A_342 = vector.broadcast %eq3A_341 : i32 to vector<16xi32>
      %eq3A_343 = arith.cmpi eq, %select_n3A_256, %eq3A_342 : vector<16xi32>
      %or3A_344 = arith.ori %eq3A_340, %eq3A_343 : vector<16xi1>
      %jit3A_345 = arith.constant 1.000000e+00 : f32
      %jit3A_346 = arith.constant 0.000000e+00 : f32
      %broadcast_in_dim3A_347 = vector.broadcast %jit3A_345 : f32 to vector<16xf32>
      %broadcast_in_dim3A_348 = vector.broadcast %jit3A_346 : f32 to vector<16xf32>
      %select_n3A_349 = arith.select %or3A_344, %broadcast_in_dim3A_347, %broadcast_in_dim3A_348 : vector<16xi1>, vector<16xf32>
      %add3A_350 = arith.addf %scan3A_61, %select_n3A_349 : vector<16xf32>
      %eq3A_351 = arith.constant 4 : i32
      %eq3A_352 = vector.broadcast %eq3A_351 : i32 to vector<16xi32>
      %eq3A_353 = arith.cmpi eq, %select_n3A_143, %eq3A_352 : vector<16xi32>
      %eq3A_354 = arith.constant 4 : i32
      %eq3A_355 = vector.broadcast %eq3A_354 : i32 to vector<16xi32>
      %eq3A_356 = arith.cmpi eq, %select_n3A_256, %eq3A_355 : vector<16xi32>
      %or3A_357 = arith.ori %eq3A_353, %eq3A_356 : vector<16xi1>
      %jit3A_358 = arith.constant 1.000000e+00 : f32
      %jit3A_359 = arith.constant 0.000000e+00 : f32
      %broadcast_in_dim3A_360 = vector.broadcast %jit3A_358 : f32 to vector<16xf32>
      %broadcast_in_dim3A_361 = vector.broadcast %jit3A_359 : f32 to vector<16xf32>
      %select_n3A_362 = arith.select %or3A_357, %broadcast_in_dim3A_360, %broadcast_in_dim3A_361 : vector<16xi1>, vector<16xf32>
      %add3A_363 = arith.addf %scan3A_62, %select_n3A_362 : vector<16xf32>
      %eq3A_364 = arith.constant 5 : i32
      %eq3A_365 = vector.broadcast %eq3A_364 : i32 to vector<16xi32>
      %eq3A_366 = arith.cmpi eq, %select_n3A_143, %eq3A_365 : vector<16xi32>
      %eq3A_367 = arith.constant 5 : i32
      %eq3A_368 = vector.broadcast %eq3A_367 : i32 to vector<16xi32>
      %eq3A_369 = arith.cmpi eq, %select_n3A_256, %eq3A_368 : vector<16xi32>
      %or3A_370 = arith.ori %eq3A_366, %eq3A_369 : vector<16xi1>
      %jit3A_371 = arith.constant 1.000000e+00 : f32
      %jit3A_372 = arith.constant 0.000000e+00 : f32
      %broadcast_in_dim3A_373 = vector.broadcast %jit3A_371 : f32 to vector<16xf32>
      %broadcast_in_dim3A_374 = vector.broadcast %jit3A_372 : f32 to vector<16xf32>
      %select_n3A_375 = arith.select %or3A_370, %broadcast_in_dim3A_373, %broadcast_in_dim3A_374 : vector<16xi1>, vector<16xf32>
      %add3A_376 = arith.addf %scan3A_63, %select_n3A_375 : vector<16xf32>
      %eq3A_377 = arith.constant 6 : i32
      %eq3A_378 = vector.broadcast %eq3A_377 : i32 to vector<16xi32>
      %eq3A_379 = arith.cmpi eq, %select_n3A_143, %eq3A_378 : vector<16xi32>
      %eq3A_380 = arith.constant 6 : i32
      %eq3A_381 = vector.broadcast %eq3A_380 : i32 to vector<16xi32>
      %eq3A_382 = arith.cmpi eq, %select_n3A_256, %eq3A_381 : vector<16xi32>
      %or3A_383 = arith.ori %eq3A_379, %eq3A_382 : vector<16xi1>
      %jit3A_384 = arith.constant 1.000000e+00 : f32
      %jit3A_385 = arith.constant 0.000000e+00 : f32
      %broadcast_in_dim3A_386 = vector.broadcast %jit3A_384 : f32 to vector<16xf32>
      %broadcast_in_dim3A_387 = vector.broadcast %jit3A_385 : f32 to vector<16xf32>
      %select_n3A_388 = arith.select %or3A_383, %broadcast_in_dim3A_386, %broadcast_in_dim3A_387 : vector<16xi1>, vector<16xf32>
      %add3A_389 = arith.addf %scan3A_64, %select_n3A_388 : vector<16xf32>
      %eq3A_390 = arith.constant 7 : i32
      %eq3A_391 = vector.broadcast %eq3A_390 : i32 to vector<16xi32>
      %eq3A_392 = arith.cmpi eq, %select_n3A_143, %eq3A_391 : vector<16xi32>
      %eq3A_393 = arith.constant 7 : i32
      %eq3A_394 = vector.broadcast %eq3A_393 : i32 to vector<16xi32>
      %eq3A_395 = arith.cmpi eq, %select_n3A_256, %eq3A_394 : vector<16xi32>
      %or3A_396 = arith.ori %eq3A_392, %eq3A_395 : vector<16xi1>
      %jit3A_397 = arith.constant 1.000000e+00 : f32
      %jit3A_398 = arith.constant 0.000000e+00 : f32
      %broadcast_in_dim3A_399 = vector.broadcast %jit3A_397 : f32 to vector<16xf32>
      %broadcast_in_dim3A_400 = vector.broadcast %jit3A_398 : f32 to vector<16xf32>
      %select_n3A_401 = arith.select %or3A_396, %broadcast_in_dim3A_399, %broadcast_in_dim3A_400 : vector<16xi1>, vector<16xf32>
      %add3A_402 = arith.addf %scan3A_65, %select_n3A_401 : vector<16xf32>
      scf.yield %add3A_311, %add3A_324, %add3A_337, %add3A_350, %add3A_363, %add3A_376, %add3A_389, %add3A_402 : vector<16xf32>, vector<16xf32>, vector<16xf32>, vector<16xf32>, vector<16xf32>, vector<16xf32>, vector<16xf32>, vector<16xf32>
    }
    %scan3A_25 = arith.constant 64 : i32
    %swap3A = arith.constant 0 : index
    %swap3A_26 = tpu.vector_load %arg13[%swap3A] {strides = array<i32>} : memref<128xf32, #tpu.memory_space<vmem>>, vector<16xf32>,
    %swap3A_27 = vector.shape_cast %swap3A_26 : vector<16xf32> to vector<16xf32>
    %swap3A_28 = vector.shape_cast %scan3A_24#0 : vector<16xf32> to vector<16xf32>
    tpu.vector_store %arg13[%swap3A], %swap3A_28 {strides = array<i32>} : memref<128xf32, #tpu.memory_space<vmem>>, vector<16xf32>,
    %swap3A_29 = arith.constant 16 : index
    %swap3A_30 = tpu.vector_load %arg13[%swap3A_29] {strides = array<i32>} : memref<128xf32, #tpu.memory_space<vmem>>, vector<16xf32>,
    %swap3A_31 = vector.shape_cast %swap3A_30 : vector<16xf32> to vector<16xf32>
    %swap3A_32 = vector.shape_cast %scan3A_24#1 : vector<16xf32> to vector<16xf32>
    tpu.vector_store %arg13[%swap3A_29], %swap3A_32 {strides = array<i32>} : memref<128xf32, #tpu.memory_space<vmem>>, vector<16xf32>,
    %swap3A_33 = arith.constant 32 : index
    %swap3A_34 = tpu.vector_load %arg13[%swap3A_33] {strides = array<i32>} : memref<128xf32, #tpu.memory_space<vmem>>, vector<16xf32>,
    %swap3A_35 = vector.shape_cast %swap3A_34 : vector<16xf32> to vector<16xf32>
    %swap3A_36 = vector.shape_cast %scan3A_24#2 : vector<16xf32> to vector<16xf32>
    tpu.vector_store %arg13[%swap3A_33], %swap3A_36 {strides = array<i32>} : memref<128xf32, #tpu.memory_space<vmem>>, vector<16xf32>,
    %swap3A_37 = arith.constant 48 : index
    %swap3A_38 = tpu.vector_load %arg13[%swap3A_37] {strides = array<i32>} : memref<128xf32, #tpu.memory_space<vmem>>, vector<16xf32>,
    %swap3A_39 = vector.shape_cast %swap3A_38 : vector<16xf32> to vector<16xf32>
    %swap3A_40 = vector.shape_cast %scan3A_24#3 : vector<16xf32> to vector<16xf32>
    tpu.vector_store %arg13[%swap3A_37], %swap3A_40 {strides = array<i32>} : memref<128xf32, #tpu.memory_space<vmem>>, vector<16xf32>,
    %swap3A_41 = arith.constant 64 : index
    %swap3A_42 = tpu.vector_load %arg13[%swap3A_41] {strides = array<i32>} : memref<128xf32, #tpu.memory_space<vmem>>, vector<16xf32>,
    %swap3A_43 = vector.shape_cast %swap3A_42 : vector<16xf32> to vector<16xf32>
    %swap3A_44 = vector.shape_cast %scan3A_24#4 : vector<16xf32> to vector<16xf32>
    tpu.vector_store %arg13[%swap3A_41], %swap3A_44 {strides = array<i32>} : memref<128xf32, #tpu.memory_space<vmem>>, vector<16xf32>,
    %swap3A_45 = arith.constant 80 : index
    %swap3A_46 = tpu.vector_load %arg13[%swap3A_45] {strides = array<i32>} : memref<128xf32, #tpu.memory_space<vmem>>, vector<16xf32>,
    %swap3A_47 = vector.shape_cast %swap3A_46 : vector<16xf32> to vector<16xf32>
    %swap3A_48 = vector.shape_cast %scan3A_24#5 : vector<16xf32> to vector<16xf32>
    tpu.vector_store %arg13[%swap3A_45], %swap3A_48 {strides = array<i32>} : memref<128xf32, #tpu.memory_space<vmem>>, vector<16xf32>,
    %swap3A_49 = arith.constant 96 : index
    %swap3A_50 = tpu.vector_load %arg13[%swap3A_49] {strides = array<i32>} : memref<128xf32, #tpu.memory_space<vmem>>, vector<16xf32>,
    %swap3A_51 = vector.shape_cast %swap3A_50 : vector<16xf32> to vector<16xf32>
    %swap3A_52 = vector.shape_cast %scan3A_24#6 : vector<16xf32> to vector<16xf32>
    tpu.vector_store %arg13[%swap3A_49], %swap3A_52 {strides = array<i32>} : memref<128xf32, #tpu.memory_space<vmem>>, vector<16xf32>,
    %swap3A_53 = arith.constant 112 : index
    %swap3A_54 = tpu.vector_load %arg13[%swap3A_53] {strides = array<i32>} : memref<128xf32, #tpu.memory_space<vmem>>, vector<16xf32>,
    %swap3A_55 = vector.shape_cast %swap3A_54 : vector<16xf32> to vector<16xf32>
    %swap3A_56 = vector.shape_cast %scan3A_24#7 : vector<16xf32> to vector<16xf32>
    tpu.vector_store %arg13[%swap3A_53], %swap3A_56 {strides = array<i32>} : memref<128xf32, #tpu.memory_space<vmem>>, vector<16xf32>,
    "tpu.region"() ({
      %run_scoped3A = tpu.sem_alloc : memref<!tpu.dma_semaphore, #tpu.memory_space<semaphore_mem>>
      %dma_start3A = tpu.memref_slice %arg3[%mul3A_2] : memref<32768xi32, #tpu.memory_space<hbm>> -> memref<1024xi32, #tpu.memory_space<hbm>>
      %dma_start3A_57 = tpu.memref_slice %arg3[%mul3A_2] : memref<32768xi32, #tpu.memory_space<hbm>> -> memref<1024xi32, #tpu.memory_space<hbm>>
      tpu.enqueue_dma source(%arg9 : memref<1024xi32, #tpu.memory_space<vmem>>) target(%dma_start3A_57 : memref<1024xi32, #tpu.memory_space<hbm>>) target_semaphore(%run_scoped3A : memref<!tpu.dma_semaphore, #tpu.memory_space<semaphore_mem>>)
      %dma_wait3A = tpu.memref_slice %arg3[%mul3A_2] : memref<32768xi32, #tpu.memory_space<hbm>> -> memref<1024xi32, #tpu.memory_space<hbm>>
      %dma_wait3A_58 = tpu.memref_slice %arg3[%mul3A_2] : memref<32768xi32, #tpu.memory_space<hbm>> -> memref<1024xi32, #tpu.memory_space<hbm>>
      tpu.wait_dma2 semaphore(%run_scoped3A : memref<!tpu.dma_semaphore, #tpu.memory_space<semaphore_mem>>) src(%arg9 : memref<1024xi32, #tpu.memory_space<vmem>>) dst(%dma_wait3A_58 : memref<1024xi32, #tpu.memory_space<hbm>>)
      tpu.yield
    }) : () -> ()
    "tpu.region"() ({
      %run_scoped3A = tpu.sem_alloc : memref<!tpu.dma_semaphore, #tpu.memory_space<semaphore_mem>>
      %dma_start3A = tpu.memref_slice %arg4[%mul3A_2] : memref<32768xi32, #tpu.memory_space<hbm>> -> memref<1024xi32, #tpu.memory_space<hbm>>
      %dma_start3A_57 = tpu.memref_slice %arg4[%mul3A_2] : memref<32768xi32, #tpu.memory_space<hbm>> -> memref<1024xi32, #tpu.memory_space<hbm>>
      tpu.enqueue_dma source(%arg10 : memref<1024xi32, #tpu.memory_space<vmem>>) target(%dma_start3A_57 : memref<1024xi32, #tpu.memory_space<hbm>>) target_semaphore(%run_scoped3A : memref<!tpu.dma_semaphore, #tpu.memory_space<semaphore_mem>>)
      %dma_wait3A = tpu.memref_slice %arg4[%mul3A_2] : memref<32768xi32, #tpu.memory_space<hbm>> -> memref<1024xi32, #tpu.memory_space<hbm>>
      %dma_wait3A_58 = tpu.memref_slice %arg4[%mul3A_2] : memref<32768xi32, #tpu.memory_space<hbm>> -> memref<1024xi32, #tpu.memory_space<hbm>>
      tpu.wait_dma2 semaphore(%run_scoped3A : memref<!tpu.dma_semaphore, #tpu.memory_space<semaphore_mem>>) src(%arg10 : memref<1024xi32, #tpu.memory_space<vmem>>) dst(%dma_wait3A_58 : memref<1024xi32, #tpu.memory_space<hbm>>)
      tpu.yield
    }) : () -> ()
    "tpu.region"() ({
      %run_scoped3A = tpu.sem_alloc : memref<!tpu.dma_semaphore, #tpu.memory_space<semaphore_mem>>
      %dma_start3A = tpu.memref_slice %arg5[%mul3A_2] : memref<32768xf32, #tpu.memory_space<hbm>> -> memref<1024xf32, #tpu.memory_space<hbm>>
      %dma_start3A_57 = tpu.memref_slice %arg5[%mul3A_2] : memref<32768xf32, #tpu.memory_space<hbm>> -> memref<1024xf32, #tpu.memory_space<hbm>>
      tpu.enqueue_dma source(%arg11 : memref<1024xf32, #tpu.memory_space<vmem>>) target(%dma_start3A_57 : memref<1024xf32, #tpu.memory_space<hbm>>) target_semaphore(%run_scoped3A : memref<!tpu.dma_semaphore, #tpu.memory_space<semaphore_mem>>)
      %dma_wait3A = tpu.memref_slice %arg5[%mul3A_2] : memref<32768xf32, #tpu.memory_space<hbm>> -> memref<1024xf32, #tpu.memory_space<hbm>>
      %dma_wait3A_58 = tpu.memref_slice %arg5[%mul3A_2] : memref<32768xf32, #tpu.memory_space<hbm>> -> memref<1024xf32, #tpu.memory_space<hbm>>
      tpu.wait_dma2 semaphore(%run_scoped3A : memref<!tpu.dma_semaphore, #tpu.memory_space<semaphore_mem>>) src(%arg11 : memref<1024xf32, #tpu.memory_space<vmem>>) dst(%dma_wait3A_58 : memref<1024xf32, #tpu.memory_space<hbm>>)
      tpu.yield
    }) : () -> ()
    "tpu.region"() ({
      %run_scoped3A = tpu.sem_alloc : memref<!tpu.dma_semaphore, #tpu.memory_space<semaphore_mem>>
      %dma_start3A = tpu.memref_slice %arg6[%mul3A_2] : memref<32768xf32, #tpu.memory_space<hbm>> -> memref<1024xf32, #tpu.memory_space<hbm>>
      %dma_start3A_57 = tpu.memref_slice %arg6[%mul3A_2] : memref<32768xf32, #tpu.memory_space<hbm>> -> memref<1024xf32, #tpu.memory_space<hbm>>
      tpu.enqueue_dma source(%arg12 : memref<1024xf32, #tpu.memory_space<vmem>>) target(%dma_start3A_57 : memref<1024xf32, #tpu.memory_space<hbm>>) target_semaphore(%run_scoped3A : memref<!tpu.dma_semaphore, #tpu.memory_space<semaphore_mem>>)
      %dma_wait3A = tpu.memref_slice %arg6[%mul3A_2] : memref<32768xf32, #tpu.memory_space<hbm>> -> memref<1024xf32, #tpu.memory_space<hbm>>
      %dma_wait3A_58 = tpu.memref_slice %arg6[%mul3A_2] : memref<32768xf32, #tpu.memory_space<hbm>> -> memref<1024xf32, #tpu.memory_space<hbm>>
      tpu.wait_dma2 semaphore(%run_scoped3A : memref<!tpu.dma_semaphore, #tpu.memory_space<semaphore_mem>>) src(%arg12 : memref<1024xf32, #tpu.memory_space<vmem>>) dst(%dma_wait3A_58 : memref<1024xf32, #tpu.memory_space<hbm>>)
      tpu.yield
    }) : () -> ()
    "tpu.region"() ({
      %run_scoped3A = tpu.sem_alloc : memref<!tpu.dma_semaphore, #tpu.memory_space<semaphore_mem>>
      %dma_start3A = arith.constant 0 : i32
      %dma_start3A_57 = tpu.memref_slice %arg7[%add3A, %dma_start3A] : memref<32x128xf32, #tpu.memory_space<hbm>> -> memref<1x128xf32, #tpu.memory_space<hbm>>
      %dma_start3A_58 = tpu.memref_squeeze %dma_start3A_57 : memref<1x128xf32, #tpu.memory_space<hbm>> -> memref<128xf32, #tpu.memory_space<hbm>>
      %dma_start3A_59 = arith.constant 0 : i32
      %dma_start3A_60 = tpu.memref_slice %arg7[%add3A, %dma_start3A_59] : memref<32x128xf32, #tpu.memory_space<hbm>> -> memref<1x128xf32, #tpu.memory_space<hbm>>
      %dma_start3A_61 = tpu.memref_squeeze %dma_start3A_60 : memref<1x128xf32, #tpu.memory_space<hbm>> -> memref<128xf32, #tpu.memory_space<hbm>>
      tpu.enqueue_dma source(%arg13 : memref<128xf32, #tpu.memory_space<vmem>>) target(%dma_start3A_61 : memref<128xf32, #tpu.memory_space<hbm>>) target_semaphore(%run_scoped3A : memref<!tpu.dma_semaphore, #tpu.memory_space<semaphore_mem>>)
      %dma_wait3A = arith.constant 0 : i32
      %dma_wait3A_62 = tpu.memref_slice %arg7[%add3A, %dma_wait3A] : memref<32x128xf32, #tpu.memory_space<hbm>> -> memref<1x128xf32, #tpu.memory_space<hbm>>
      %dma_wait3A_63 = tpu.memref_squeeze %dma_wait3A_62 : memref<1x128xf32, #tpu.memory_space<hbm>> -> memref<128xf32, #tpu.memory_space<hbm>>
      %dma_wait3A_64 = arith.constant 0 : i32
      %dma_wait3A_65 = tpu.memref_slice %arg7[%add3A, %dma_wait3A_64] : memref<32x128xf32, #tpu.memory_space<hbm>> -> memref<1x128xf32, #tpu.memory_space<hbm>>
      %dma_wait3A_66 = tpu.memref_squeeze %dma_wait3A_65 : memref<1x128xf32, #tpu.memory_space<hbm>> -> memref<128xf32, #tpu.memory_space<hbm>>
      tpu.wait_dma2 semaphore(%run_scoped3A : memref<!tpu.dma_semaphore, #tpu.memory_space<semaphore_mem>>) src(%arg13 : memref<128xf32, #tpu.memory_space<vmem>>) dst(%dma_wait3A_66 : memref<128xf32, #tpu.memory_space<hbm>>)
      tpu.yield
    }) : () -> ()
    return
  }
}

module attributes {stable_mosaic.version = 14 : i64} {
  func.func @_stats_body(%arg0: memref<32x128xf32, #tpu.memory_space<vmem>>, %arg1: memref<1x128xf32, #tpu.memory_space<vmem>>, %arg2: memref<1x128xf32, #tpu.memory_space<vmem>>) attributes {dimension_semantics = [], scalar_prefetch = 0 : i64, scratch_operands = 0 : i64, tpu.core_type = #tpu.core_type<tc>} {
    %get3A = arith.constant 0 : index
    %get3A_0 = arith.constant 0 : index
    %get3A_1 = vector.load %arg0[%get3A, %get3A_0] : memref<32x128xf32, #tpu.memory_space<vmem>>, vector<32x128xf32>
    %reduce_sum3A = arith.constant dense<0.000000e+00> : vector<128xf32>
    %reduce_sum3A_2 = vector.multi_reduction <add>, %get3A_1, %reduce_sum3A [0] : vector<32x128xf32> to vector<128xf32>
    %broadcast_in_dim3A = vector.shape_cast %reduce_sum3A_2 : vector<128xf32> to vector<1x128xf32>
    %iota3A = tpu.iota {dimensions = array<i32: 1>} : vector<1x128xi32>
    %broadcast_in_dim3A_3 = arith.constant 0.000000e+00 : f32
    %broadcast_in_dim3A_4 = vector.broadcast %broadcast_in_dim3A_3 : f32 to vector<1x128xf32>
    %ge3A = arith.constant 0 : i32
    %ge3A_5 = vector.broadcast %ge3A : i32 to vector<1x128xi32>
    %ge3A_6 = arith.cmpi sge, %iota3A, %ge3A_5 : vector<1x128xi32>
    %lt3A = arith.constant 16 : i32
    %lt3A_7 = vector.broadcast %lt3A : i32 to vector<1x128xi32>
    %lt3A_8 = arith.cmpi slt, %iota3A, %lt3A_7 : vector<1x128xi32>
    %and3A = arith.andi %ge3A_6, %lt3A_8 : vector<1x128xi1>
    %jit3A = arith.constant 0.000000e+00 : f32
    %broadcast_in_dim3A_9 = vector.broadcast %jit3A : f32 to vector<1x128xf32>
    %select_n3A = arith.select %and3A, %broadcast_in_dim3A, %broadcast_in_dim3A_9 : vector<1x128xi1>, vector<1x128xf32>
    %reduce_sum3A_10 = vector.shape_cast %select_n3A : vector<1x128xf32> to vector<1x1x128xf32>
    %reduce_sum3A_11 = arith.constant dense<0.000000e+00> : vector<1xf32>
    %reduce_sum3A_12 = vector.multi_reduction <add>, %reduce_sum3A_10, %reduce_sum3A_11 [1, 2] : vector<1x1x128xf32> to vector<1xf32>
    %reduce_sum3A_13 = vector.shape_cast %reduce_sum3A_12 : vector<1xf32> to vector<1x1x1xf32>
    %reduce_sum3A_14 = vector.extract %reduce_sum3A_13[0, 0, 0] : f32 from vector<1x1x1xf32>
    %eq3A = arith.constant 0 : i32
    %eq3A_15 = vector.broadcast %eq3A : i32 to vector<1x128xi32>
    %eq3A_16 = arith.cmpi eq, %iota3A, %eq3A_15 : vector<1x128xi32>
    %jit3A_17 = arith.constant 0.000000e+00 : f32
    %broadcast_in_dim3A_18 = vector.broadcast %reduce_sum3A_14 : f32 to vector<1x128xf32>
    %broadcast_in_dim3A_19 = vector.broadcast %jit3A_17 : f32 to vector<1x128xf32>
    %select_n3A_20 = arith.select %eq3A_16, %broadcast_in_dim3A_18, %broadcast_in_dim3A_19 : vector<1x128xi1>, vector<1x128xf32>
    %add3A = arith.addf %broadcast_in_dim3A_4, %select_n3A_20 : vector<1x128xf32>
    %ge3A_21 = arith.constant 16 : i32
    %ge3A_22 = vector.broadcast %ge3A_21 : i32 to vector<1x128xi32>
    %ge3A_23 = arith.cmpi sge, %iota3A, %ge3A_22 : vector<1x128xi32>
    %lt3A_24 = arith.constant 32 : i32
    %lt3A_25 = vector.broadcast %lt3A_24 : i32 to vector<1x128xi32>
    %lt3A_26 = arith.cmpi slt, %iota3A, %lt3A_25 : vector<1x128xi32>
    %and3A_27 = arith.andi %ge3A_23, %lt3A_26 : vector<1x128xi1>
    %jit3A_28 = arith.constant 0.000000e+00 : f32
    %broadcast_in_dim3A_29 = vector.broadcast %jit3A_28 : f32 to vector<1x128xf32>
    %select_n3A_30 = arith.select %and3A_27, %broadcast_in_dim3A, %broadcast_in_dim3A_29 : vector<1x128xi1>, vector<1x128xf32>
    %reduce_sum3A_31 = vector.shape_cast %select_n3A_30 : vector<1x128xf32> to vector<1x1x128xf32>
    %reduce_sum3A_32 = arith.constant dense<0.000000e+00> : vector<1xf32>
    %reduce_sum3A_33 = vector.multi_reduction <add>, %reduce_sum3A_31, %reduce_sum3A_32 [1, 2] : vector<1x1x128xf32> to vector<1xf32>
    %reduce_sum3A_34 = vector.shape_cast %reduce_sum3A_33 : vector<1xf32> to vector<1x1x1xf32>
    %reduce_sum3A_35 = vector.extract %reduce_sum3A_34[0, 0, 0] : f32 from vector<1x1x1xf32>
    %eq3A_36 = arith.constant 1 : i32
    %eq3A_37 = vector.broadcast %eq3A_36 : i32 to vector<1x128xi32>
    %eq3A_38 = arith.cmpi eq, %iota3A, %eq3A_37 : vector<1x128xi32>
    %jit3A_39 = arith.constant 0.000000e+00 : f32
    %broadcast_in_dim3A_40 = vector.broadcast %reduce_sum3A_35 : f32 to vector<1x128xf32>
    %broadcast_in_dim3A_41 = vector.broadcast %jit3A_39 : f32 to vector<1x128xf32>
    %select_n3A_42 = arith.select %eq3A_38, %broadcast_in_dim3A_40, %broadcast_in_dim3A_41 : vector<1x128xi1>, vector<1x128xf32>
    %add3A_43 = arith.addf %add3A, %select_n3A_42 : vector<1x128xf32>
    %ge3A_44 = arith.constant 32 : i32
    %ge3A_45 = vector.broadcast %ge3A_44 : i32 to vector<1x128xi32>
    %ge3A_46 = arith.cmpi sge, %iota3A, %ge3A_45 : vector<1x128xi32>
    %lt3A_47 = arith.constant 48 : i32
    %lt3A_48 = vector.broadcast %lt3A_47 : i32 to vector<1x128xi32>
    %lt3A_49 = arith.cmpi slt, %iota3A, %lt3A_48 : vector<1x128xi32>
    %and3A_50 = arith.andi %ge3A_46, %lt3A_49 : vector<1x128xi1>
    %jit3A_51 = arith.constant 0.000000e+00 : f32
    %broadcast_in_dim3A_52 = vector.broadcast %jit3A_51 : f32 to vector<1x128xf32>
    %select_n3A_53 = arith.select %and3A_50, %broadcast_in_dim3A, %broadcast_in_dim3A_52 : vector<1x128xi1>, vector<1x128xf32>
    %reduce_sum3A_54 = vector.shape_cast %select_n3A_53 : vector<1x128xf32> to vector<1x1x128xf32>
    %reduce_sum3A_55 = arith.constant dense<0.000000e+00> : vector<1xf32>
    %reduce_sum3A_56 = vector.multi_reduction <add>, %reduce_sum3A_54, %reduce_sum3A_55 [1, 2] : vector<1x1x128xf32> to vector<1xf32>
    %reduce_sum3A_57 = vector.shape_cast %reduce_sum3A_56 : vector<1xf32> to vector<1x1x1xf32>
    %reduce_sum3A_58 = vector.extract %reduce_sum3A_57[0, 0, 0] : f32 from vector<1x1x1xf32>
    %eq3A_59 = arith.constant 2 : i32
    %eq3A_60 = vector.broadcast %eq3A_59 : i32 to vector<1x128xi32>
    %eq3A_61 = arith.cmpi eq, %iota3A, %eq3A_60 : vector<1x128xi32>
    %jit3A_62 = arith.constant 0.000000e+00 : f32
    %broadcast_in_dim3A_63 = vector.broadcast %reduce_sum3A_58 : f32 to vector<1x128xf32>
    %broadcast_in_dim3A_64 = vector.broadcast %jit3A_62 : f32 to vector<1x128xf32>
    %select_n3A_65 = arith.select %eq3A_61, %broadcast_in_dim3A_63, %broadcast_in_dim3A_64 : vector<1x128xi1>, vector<1x128xf32>
    %add3A_66 = arith.addf %add3A_43, %select_n3A_65 : vector<1x128xf32>
    %ge3A_67 = arith.constant 48 : i32
    %ge3A_68 = vector.broadcast %ge3A_67 : i32 to vector<1x128xi32>
    %ge3A_69 = arith.cmpi sge, %iota3A, %ge3A_68 : vector<1x128xi32>
    %lt3A_70 = arith.constant 64 : i32
    %lt3A_71 = vector.broadcast %lt3A_70 : i32 to vector<1x128xi32>
    %lt3A_72 = arith.cmpi slt, %iota3A, %lt3A_71 : vector<1x128xi32>
    %and3A_73 = arith.andi %ge3A_69, %lt3A_72 : vector<1x128xi1>
    %jit3A_74 = arith.constant 0.000000e+00 : f32
    %broadcast_in_dim3A_75 = vector.broadcast %jit3A_74 : f32 to vector<1x128xf32>
    %select_n3A_76 = arith.select %and3A_73, %broadcast_in_dim3A, %broadcast_in_dim3A_75 : vector<1x128xi1>, vector<1x128xf32>
    %reduce_sum3A_77 = vector.shape_cast %select_n3A_76 : vector<1x128xf32> to vector<1x1x128xf32>
    %reduce_sum3A_78 = arith.constant dense<0.000000e+00> : vector<1xf32>
    %reduce_sum3A_79 = vector.multi_reduction <add>, %reduce_sum3A_77, %reduce_sum3A_78 [1, 2] : vector<1x1x128xf32> to vector<1xf32>
    %reduce_sum3A_80 = vector.shape_cast %reduce_sum3A_79 : vector<1xf32> to vector<1x1x1xf32>
    %reduce_sum3A_81 = vector.extract %reduce_sum3A_80[0, 0, 0] : f32 from vector<1x1x1xf32>
    %eq3A_82 = arith.constant 3 : i32
    %eq3A_83 = vector.broadcast %eq3A_82 : i32 to vector<1x128xi32>
    %eq3A_84 = arith.cmpi eq, %iota3A, %eq3A_83 : vector<1x128xi32>
    %jit3A_85 = arith.constant 0.000000e+00 : f32
    %broadcast_in_dim3A_86 = vector.broadcast %reduce_sum3A_81 : f32 to vector<1x128xf32>
    %broadcast_in_dim3A_87 = vector.broadcast %jit3A_85 : f32 to vector<1x128xf32>
    %select_n3A_88 = arith.select %eq3A_84, %broadcast_in_dim3A_86, %broadcast_in_dim3A_87 : vector<1x128xi1>, vector<1x128xf32>
    %add3A_89 = arith.addf %add3A_66, %select_n3A_88 : vector<1x128xf32>
    %ge3A_90 = arith.constant 64 : i32
    %ge3A_91 = vector.broadcast %ge3A_90 : i32 to vector<1x128xi32>
    %ge3A_92 = arith.cmpi sge, %iota3A, %ge3A_91 : vector<1x128xi32>
    %lt3A_93 = arith.constant 80 : i32
    %lt3A_94 = vector.broadcast %lt3A_93 : i32 to vector<1x128xi32>
    %lt3A_95 = arith.cmpi slt, %iota3A, %lt3A_94 : vector<1x128xi32>
    %and3A_96 = arith.andi %ge3A_92, %lt3A_95 : vector<1x128xi1>
    %jit3A_97 = arith.constant 0.000000e+00 : f32
    %broadcast_in_dim3A_98 = vector.broadcast %jit3A_97 : f32 to vector<1x128xf32>
    %select_n3A_99 = arith.select %and3A_96, %broadcast_in_dim3A, %broadcast_in_dim3A_98 : vector<1x128xi1>, vector<1x128xf32>
    %reduce_sum3A_100 = vector.shape_cast %select_n3A_99 : vector<1x128xf32> to vector<1x1x128xf32>
    %reduce_sum3A_101 = arith.constant dense<0.000000e+00> : vector<1xf32>
    %reduce_sum3A_102 = vector.multi_reduction <add>, %reduce_sum3A_100, %reduce_sum3A_101 [1, 2] : vector<1x1x128xf32> to vector<1xf32>
    %reduce_sum3A_103 = vector.shape_cast %reduce_sum3A_102 : vector<1xf32> to vector<1x1x1xf32>
    %reduce_sum3A_104 = vector.extract %reduce_sum3A_103[0, 0, 0] : f32 from vector<1x1x1xf32>
    %eq3A_105 = arith.constant 4 : i32
    %eq3A_106 = vector.broadcast %eq3A_105 : i32 to vector<1x128xi32>
    %eq3A_107 = arith.cmpi eq, %iota3A, %eq3A_106 : vector<1x128xi32>
    %jit3A_108 = arith.constant 0.000000e+00 : f32
    %broadcast_in_dim3A_109 = vector.broadcast %reduce_sum3A_104 : f32 to vector<1x128xf32>
    %broadcast_in_dim3A_110 = vector.broadcast %jit3A_108 : f32 to vector<1x128xf32>
    %select_n3A_111 = arith.select %eq3A_107, %broadcast_in_dim3A_109, %broadcast_in_dim3A_110 : vector<1x128xi1>, vector<1x128xf32>
    %add3A_112 = arith.addf %add3A_89, %select_n3A_111 : vector<1x128xf32>
    %ge3A_113 = arith.constant 80 : i32
    %ge3A_114 = vector.broadcast %ge3A_113 : i32 to vector<1x128xi32>
    %ge3A_115 = arith.cmpi sge, %iota3A, %ge3A_114 : vector<1x128xi32>
    %lt3A_116 = arith.constant 96 : i32
    %lt3A_117 = vector.broadcast %lt3A_116 : i32 to vector<1x128xi32>
    %lt3A_118 = arith.cmpi slt, %iota3A, %lt3A_117 : vector<1x128xi32>
    %and3A_119 = arith.andi %ge3A_115, %lt3A_118 : vector<1x128xi1>
    %jit3A_120 = arith.constant 0.000000e+00 : f32
    %broadcast_in_dim3A_121 = vector.broadcast %jit3A_120 : f32 to vector<1x128xf32>
    %select_n3A_122 = arith.select %and3A_119, %broadcast_in_dim3A, %broadcast_in_dim3A_121 : vector<1x128xi1>, vector<1x128xf32>
    %reduce_sum3A_123 = vector.shape_cast %select_n3A_122 : vector<1x128xf32> to vector<1x1x128xf32>
    %reduce_sum3A_124 = arith.constant dense<0.000000e+00> : vector<1xf32>
    %reduce_sum3A_125 = vector.multi_reduction <add>, %reduce_sum3A_123, %reduce_sum3A_124 [1, 2] : vector<1x1x128xf32> to vector<1xf32>
    %reduce_sum3A_126 = vector.shape_cast %reduce_sum3A_125 : vector<1xf32> to vector<1x1x1xf32>
    %reduce_sum3A_127 = vector.extract %reduce_sum3A_126[0, 0, 0] : f32 from vector<1x1x1xf32>
    %eq3A_128 = arith.constant 5 : i32
    %eq3A_129 = vector.broadcast %eq3A_128 : i32 to vector<1x128xi32>
    %eq3A_130 = arith.cmpi eq, %iota3A, %eq3A_129 : vector<1x128xi32>
    %jit3A_131 = arith.constant 0.000000e+00 : f32
    %broadcast_in_dim3A_132 = vector.broadcast %reduce_sum3A_127 : f32 to vector<1x128xf32>
    %broadcast_in_dim3A_133 = vector.broadcast %jit3A_131 : f32 to vector<1x128xf32>
    %select_n3A_134 = arith.select %eq3A_130, %broadcast_in_dim3A_132, %broadcast_in_dim3A_133 : vector<1x128xi1>, vector<1x128xf32>
    %add3A_135 = arith.addf %add3A_112, %select_n3A_134 : vector<1x128xf32>
    %ge3A_136 = arith.constant 96 : i32
    %ge3A_137 = vector.broadcast %ge3A_136 : i32 to vector<1x128xi32>
    %ge3A_138 = arith.cmpi sge, %iota3A, %ge3A_137 : vector<1x128xi32>
    %lt3A_139 = arith.constant 112 : i32
    %lt3A_140 = vector.broadcast %lt3A_139 : i32 to vector<1x128xi32>
    %lt3A_141 = arith.cmpi slt, %iota3A, %lt3A_140 : vector<1x128xi32>
    %and3A_142 = arith.andi %ge3A_138, %lt3A_141 : vector<1x128xi1>
    %jit3A_143 = arith.constant 0.000000e+00 : f32
    %broadcast_in_dim3A_144 = vector.broadcast %jit3A_143 : f32 to vector<1x128xf32>
    %select_n3A_145 = arith.select %and3A_142, %broadcast_in_dim3A, %broadcast_in_dim3A_144 : vector<1x128xi1>, vector<1x128xf32>
    %reduce_sum3A_146 = vector.shape_cast %select_n3A_145 : vector<1x128xf32> to vector<1x1x128xf32>
    %reduce_sum3A_147 = arith.constant dense<0.000000e+00> : vector<1xf32>
    %reduce_sum3A_148 = vector.multi_reduction <add>, %reduce_sum3A_146, %reduce_sum3A_147 [1, 2] : vector<1x1x128xf32> to vector<1xf32>
    %reduce_sum3A_149 = vector.shape_cast %reduce_sum3A_148 : vector<1xf32> to vector<1x1x1xf32>
    %reduce_sum3A_150 = vector.extract %reduce_sum3A_149[0, 0, 0] : f32 from vector<1x1x1xf32>
    %eq3A_151 = arith.constant 6 : i32
    %eq3A_152 = vector.broadcast %eq3A_151 : i32 to vector<1x128xi32>
    %eq3A_153 = arith.cmpi eq, %iota3A, %eq3A_152 : vector<1x128xi32>
    %jit3A_154 = arith.constant 0.000000e+00 : f32
    %broadcast_in_dim3A_155 = vector.broadcast %reduce_sum3A_150 : f32 to vector<1x128xf32>
    %broadcast_in_dim3A_156 = vector.broadcast %jit3A_154 : f32 to vector<1x128xf32>
    %select_n3A_157 = arith.select %eq3A_153, %broadcast_in_dim3A_155, %broadcast_in_dim3A_156 : vector<1x128xi1>, vector<1x128xf32>
    %add3A_158 = arith.addf %add3A_135, %select_n3A_157 : vector<1x128xf32>
    %ge3A_159 = arith.constant 112 : i32
    %ge3A_160 = vector.broadcast %ge3A_159 : i32 to vector<1x128xi32>
    %ge3A_161 = arith.cmpi sge, %iota3A, %ge3A_160 : vector<1x128xi32>
    %lt3A_162 = arith.constant 128 : i32
    %lt3A_163 = vector.broadcast %lt3A_162 : i32 to vector<1x128xi32>
    %lt3A_164 = arith.cmpi slt, %iota3A, %lt3A_163 : vector<1x128xi32>
    %and3A_165 = arith.andi %ge3A_161, %lt3A_164 : vector<1x128xi1>
    %jit3A_166 = arith.constant 0.000000e+00 : f32
    %broadcast_in_dim3A_167 = vector.broadcast %jit3A_166 : f32 to vector<1x128xf32>
    %select_n3A_168 = arith.select %and3A_165, %broadcast_in_dim3A, %broadcast_in_dim3A_167 : vector<1x128xi1>, vector<1x128xf32>
    %reduce_sum3A_169 = vector.shape_cast %select_n3A_168 : vector<1x128xf32> to vector<1x1x128xf32>
    %reduce_sum3A_170 = arith.constant dense<0.000000e+00> : vector<1xf32>
    %reduce_sum3A_171 = vector.multi_reduction <add>, %reduce_sum3A_169, %reduce_sum3A_170 [1, 2] : vector<1x1x128xf32> to vector<1xf32>
    %reduce_sum3A_172 = vector.shape_cast %reduce_sum3A_171 : vector<1xf32> to vector<1x1x1xf32>
    %reduce_sum3A_173 = vector.extract %reduce_sum3A_172[0, 0, 0] : f32 from vector<1x1x1xf32>
    %eq3A_174 = arith.constant 7 : i32
    %eq3A_175 = vector.broadcast %eq3A_174 : i32 to vector<1x128xi32>
    %eq3A_176 = arith.cmpi eq, %iota3A, %eq3A_175 : vector<1x128xi32>
    %jit3A_177 = arith.constant 0.000000e+00 : f32
    %broadcast_in_dim3A_178 = vector.broadcast %reduce_sum3A_173 : f32 to vector<1x128xf32>
    %broadcast_in_dim3A_179 = vector.broadcast %jit3A_177 : f32 to vector<1x128xf32>
    %select_n3A_180 = arith.select %eq3A_176, %broadcast_in_dim3A_178, %broadcast_in_dim3A_179 : vector<1x128xi1>, vector<1x128xf32>
    %add3A_181 = arith.addf %add3A_158, %select_n3A_180 : vector<1x128xf32>
    %div3A = arith.constant 6.553600e+04 : f32
    %div3A_182 = vector.broadcast %div3A : f32 to vector<1x128xf32>
    %div3A_183 = arith.divf %add3A_181, %div3A_182 : vector<1x128xf32>
    %lt3A_184 = arith.constant 8 : i32
    %lt3A_185 = vector.broadcast %lt3A_184 : i32 to vector<1x128xi32>
    %lt3A_186 = arith.cmpi slt, %iota3A, %lt3A_185 : vector<1x128xi32>
    %jit3A_187 = arith.constant 0.000000e+00 : f32
    %broadcast_in_dim3A_188 = vector.broadcast %jit3A_187 : f32 to vector<1x128xf32>
    %select_n3A_189 = arith.select %lt3A_186, %div3A_183, %broadcast_in_dim3A_188 : vector<1x128xi1>, vector<1x128xf32>
    %reduce_sum3A_190 = vector.shape_cast %select_n3A_189 : vector<1x128xf32> to vector<1x1x128xf32>
    %reduce_sum3A_191 = arith.constant dense<0.000000e+00> : vector<1xf32>
    %reduce_sum3A_192 = vector.multi_reduction <add>, %reduce_sum3A_190, %reduce_sum3A_191 [1, 2] : vector<1x1x128xf32> to vector<1xf32>
    %reduce_sum3A_193 = vector.shape_cast %reduce_sum3A_192 : vector<1xf32> to vector<1x1x1xf32>
    %reduce_sum3A_194 = vector.extract %reduce_sum3A_193[0, 0, 0] : f32 from vector<1x1x1xf32>
    %div3A_195 = arith.constant 8.000000e+00 : f32
    %div3A_196 = arith.divf %reduce_sum3A_194, %div3A_195 : f32
    %sub3A = vector.broadcast %div3A_196 : f32 to vector<1x128xf32>
    %sub3A_197 = arith.subf %div3A_183, %sub3A : vector<1x128xf32>
    %integer_pow3A = arith.mulf %sub3A_197, %sub3A_197 : vector<1x128xf32>
    %jit3A_198 = arith.constant 0.000000e+00 : f32
    %broadcast_in_dim3A_199 = vector.broadcast %jit3A_198 : f32 to vector<1x128xf32>
    %select_n3A_200 = arith.select %lt3A_186, %integer_pow3A, %broadcast_in_dim3A_199 : vector<1x128xi1>, vector<1x128xf32>
    %reduce_sum3A_201 = vector.shape_cast %select_n3A_200 : vector<1x128xf32> to vector<1x1x128xf32>
    %reduce_sum3A_202 = arith.constant dense<0.000000e+00> : vector<1xf32>
    %reduce_sum3A_203 = vector.multi_reduction <add>, %reduce_sum3A_201, %reduce_sum3A_202 [1, 2] : vector<1x1x128xf32> to vector<1xf32>
    %reduce_sum3A_204 = vector.shape_cast %reduce_sum3A_203 : vector<1xf32> to vector<1x1x1xf32>
    %reduce_sum3A_205 = vector.extract %reduce_sum3A_204[0, 0, 0] : f32 from vector<1x1x1xf32>
    %div3A_206 = arith.constant 8.000000e+00 : f32
    %div3A_207 = arith.divf %reduce_sum3A_205, %div3A_206 : f32
    %mul3A = arith.mulf %div3A_196, %div3A_196 : f32
    %add3A_208 = arith.constant 9.99999971E-10 : f32
    %add3A_209 = arith.addf %mul3A, %add3A_208 : f32
    %div3A_210 = arith.divf %div3A_207, %add3A_209 : f32
    %mul3A_211 = arith.constant 0.00999999977 : f32
    %mul3A_212 = arith.mulf %mul3A_211, %div3A_210 : f32
    %broadcast_in_dim3A_213 = vector.broadcast %mul3A_212 : f32 to vector<1x128xf32>
    %swap3A = arith.constant 0 : index
    %swap3A_214 = arith.constant 0 : index
    %swap3A_215 = vector.load %arg1[%swap3A, %swap3A_214] : memref<1x128xf32, #tpu.memory_space<vmem>>, vector<1x128xf32>
    tpu.vector_store %arg1[%swap3A, %swap3A_214], %broadcast_in_dim3A_213 {strides = array<i32>} : memref<1x128xf32, #tpu.memory_space<vmem>>, vector<1x128xf32>,
    %swap3A_216 = arith.constant 0 : index
    %swap3A_217 = arith.constant 0 : index
    %swap3A_218 = vector.load %arg2[%swap3A_216, %swap3A_217] : memref<1x128xf32, #tpu.memory_space<vmem>>, vector<1x128xf32>
    tpu.vector_store %arg2[%swap3A_216, %swap3A_217], %div3A_183 {strides = array<i32>} : memref<1x128xf32, #tpu.memory_space<vmem>>, vector<1x128xf32>,
    return
  }
}

module attributes {stable_mosaic.version = 14 : i64} {
  func.func @_logits_body(%arg0: i32, %arg1: memref<2048x768xf32, #tpu.memory_space<vmem>>, %arg2: memref<128x768xf32, #tpu.memory_space<vmem>>, %arg3: memref<8x2048xf32, #tpu.memory_space<vmem>>) attributes {dimension_semantics = [#tpu.dimension_semantics<arbitrary>], iteration_bounds = array<i64: 16>, scalar_prefetch = 0 : i64, scratch_operands = 0 : i64, tpu.core_type = #tpu.core_type<tc>, window_params = [{transform_indices = @transform_0, window_bounds = array<i64: 2048, 768>}, {pipeline_mode = #tpu.pipeline_mode<synchronous>, transform_indices = @transform_1, window_bounds = array<i64: 128, 768>}, {transform_indices = @transform_2, window_bounds = array<i64: 8, 2048>}]} {
    %get3A = arith.constant 0 : index
    %get3A_0 = arith.constant 0 : index
    %get3A_1 = vector.load %arg2[%get3A, %get3A_0] : memref<128x768xf32, #tpu.memory_space<vmem>>, vector<128x768xf32>
    %get3A_2 = arith.constant 0 : index
    %get3A_3 = arith.constant 0 : index
    %get3A_4 = vector.load %arg1[%get3A_2, %get3A_3] : memref<2048x768xf32, #tpu.memory_space<vmem>>, vector<2048x768xf32>
    %dot_general3A = arith.constant dense<0.000000e+00> : vector<128x2048xf32>
    %dot_general3A_5 = tpu.matmul %get3A_1, %get3A_4, %dot_general3A {dimension_numbers = #tpu.dot_dimension_numbers<[1], [1], [0], [0], [0, 0, 1, 0], [], []>, transpose_lhs_hint = false} : vector<128x768xf32>, vector<2048x768xf32>, vector<128x2048xf32> -> vector<128x2048xf32>
    %slice3A = vector.extract_strided_slice %dot_general3A_5 {offsets = [0, 0], sizes = [8, 2048], strides = [1, 1]} : vector<128x2048xf32> to vector<8x2048xf32>
    %swap3A = arith.constant 0 : index
    %swap3A_6 = arith.constant 0 : index
    %swap3A_7 = vector.load %arg3[%swap3A, %swap3A_6] : memref<8x2048xf32, #tpu.memory_space<vmem>>, vector<8x2048xf32>
    tpu.vector_store %arg3[%swap3A, %swap3A_6], %slice3A {strides = array<i32>} : memref<8x2048xf32, #tpu.memory_space<vmem>>, vector<8x2048xf32>,
    return
  }
  func.func @transform_0(%arg0: i32) -> (i32, i32) {
    %c0_i32 = arith.constant 0 : i32
    %c0_i32_0 = arith.constant 0 : i32
    return %arg0, %c0_i32 : i32, i32
  }
  func.func @transform_1(%arg0: i32) -> (i32, i32) {
    %c0_i32 = arith.constant 0 : i32
    %c0_i32_0 = arith.constant 0 : i32
    %c0_i32_1 = arith.constant 0 : i32
    return %c0_i32, %c0_i32_0 : i32, i32
  }
  func.func @transform_2(%arg0: i32) -> (i32, i32) {
    %c0_i32 = arith.constant 0 : i32
    %c0_i32_0 = arith.constant 0 : i32
    return %c0_i32, %arg0 : i32, i32
  }
}

</mosaic_0001>

<sc_bundles>
// kernel: kernel.5.cloned.1.call-start
scs
__scs_entry_jumppad:
0x0: {  	(pc) =	sbr.rel $0x88, $3  }
0x1: {  	(tag) =	ssettag $0x0;
	lr =	simm.s32 $0x1  }
0x2: {  	[smem:$0x3F9F] =	sst lr;
	_ =	strace $0xD0000000  }
0x3: {  	_ = 	snop  }
0x4: {  	_ = 	snop  }
0x5: {  	_ = 	snop  }
0x6: {  	_ = 	snop  }
0x7: {  	_ = 	snop  }
__scs_overlays_trampoline_lowered:
0x8: {  	[smem:$0x3FAE] =	sst s0  }
0x9: {  	[smem:$0x3FAF] =	sst s1  }
0xa: {  	[smem:$0x3FB0] =	sst s2  }
0xb: {  	[smem:$0x3FB1] =	sst s3  }
0xc: {  	[smem:$0x3FB2] =	sst s4  }
0xd: {  	[smem:$0x3FB3] =	sst s5  }
0xe: {  	[smem:$0x3FB4] =	sst s6  }
0xf: {  	[smem:$0x3FB5] =	sst s7  }
0x10: {  	[smem:$0x3FB6] =	sst s8  }
0x11: {  	[smem:$0x3FB7] =	sst s9;
	s0 =	simm.s32 @!p0 $0x0  }
0x12: {  	s1 =	sld [smem:$0x3F9D];
	s0 =	simm.s32 @p0 $0x1  }
0x13: {  	[smem:$0x3FB8] =	sst s0;
	s0 =	simm.s32 @!p1 $0x0  }
0x14: {  	s2 =	sld [smem:$0x3F9C];
	s0 =	simm.s32 @p1 $0x1  }
0x15: {  	[smem:$0x3FB9] =	sst s0;
	s0 =	simm.s32 @!p2 $0x0  }
0x16: {  	s3 =	sld [smem:$0x3FDB];
	s0 =	simm.s32 @p2 $0x1  }
0x17: {  	s4 =	simm.s32 $0x1BF5;
	[smem:$0x3FBB] =	sst s0  }
0x18: {  	s0 =	sld [smem:$0x3F9E];
	_ =	swait.ge [sflag:s4], $0x0  }
0x19: {  	s7 =	sld [smem:$0x3F9F]  }
0x1a: {  	s8 =	sadd.s32 $0xFFFFE003, lr  }
0x1b: {  	s9 =	sadd.s32 $0xFFFFFEF7, lr;
	s5 =	simm.s32 $0xFFFFFFFF;
	p2 =	slt.u32 s8, $0xFFFFF086  }
0x1c: {  	p1 =	slt.u32 s9, $0xF7A;
	s5 =	simm.s32 @!p2 $0x0  }
0x1d: {  	s5 =	simm.s32 @p1 $0x1;
	p0 =	seq.s32 s7, s2  }
0x1e: {  	s7 =	smul.u32 @!p0 $0xF7A, s2;
	p2 =	seq.s32 @!p0 s5, $0x0  }
0x1f: {  	s9 =	smul.u32 $0xF7A, s1;
	s8 =	simm.s32 @!p0 $0x1BF5;
	p2 =	por !p2, p0  }
0x20: {  	[sflag:s8] =	ssyncset.s32 @!p0 $0xFFFFF086;
	s6 =	sadd.s32 @!p0 s3, s7;
	s7 =	simm.s32 @!p0 $0x108  }
0x21: {  	s3 =	sadd.s32 s3, s9;
	s6 =	sadd.s32 @!p0 $0x88, s6;
	s7 =	simm.s32 @p2 $0x1082  }
0x22: {  	[simem:s7], [sflag:s8] =	dma.local @!p0 [hbm:s6], $0xF7A  }
0x23: {  	s9 =	sor.u32 $0xD0000000, s2;
	s6 =	simm.s32 $0x108;
	_ =	swait.ge @!p0 [sflag:s8], $0x0  }
0x24: {  	s3 =	sadd.s32 $0x88, s3;
	s6 =	simm.s32 @!p1 $0x1082;
	[sflag:s4] =	ssyncset.s32 $0xFFFFF086  }
0x25: {  	[simem:s6], [sflag:s4] =	dma.local [hbm:s3], $0xF7A  }
0x26: {  	[smem:$0x3F9F] =	sst s1;
	(tag) =	ssettag s2;
	_ =	strace s9  }
0x27: {  	s1 =	sld [smem:$0x3FAF]  }
0x28: {  	s2 =	sld [smem:$0x3FB0]  }
0x29: {  	s4 =	sld [smem:$0x3FB2]  }
0x2a: {  	p0 =	seq.s32 s5, $0x0;
	s5 =	sld [smem:$0x3FB3]  }
0x2b: {  	s6 =	sld [smem:$0x3FB4]  }
0x2c: {  	s7 =	sld [smem:$0x3FB5]  }
0x2d: {  	s3 =	simm.s32 $0x108;
	s8 =	sld [smem:$0x3FB6]  }
0x2e: {  	s3 =	simm.s32 @!p0 $0x1082;
	s9 =	sld [smem:$0x3FB7]  }
0x2f: {  	lr =	sadd.s32 s0, s3;
	s0 =	sld [smem:$0x3FAE]  }
0x30: {  	s3 =	sld [smem:$0x3FB1]  }
0x31: {  	[smem:$0x3FBA] =	sst s10  }
0x32: {  	s10 =	sld [smem:$0x3FB8];
	_ =	sdelay $0x3  }
0x33: {  	p0 =	seq.s32 s10, $0x1;
	s10 =	sld [smem:$0x3FBA];
	_ =	sdelay $0x3  }
0x34: {  	[smem:$0x3FBA] =	sst s10  }
0x35: {  	s10 =	sld [smem:$0x3FB9];
	_ =	sdelay $0x3  }
0x36: {  	p1 =	seq.s32 s10, $0x1;
	s10 =	sld [smem:$0x3FBA];
	_ =	sdelay $0x3  }
0x37: {  	[smem:$0x3FBA] =	sst s10  }
0x38: {  	s10 =	sld [smem:$0x3FBB]  }
0x39: {  	_ = 	snop;
	(pc) =	sbr.ind lr, $3  }
0x3a: {  	_ = 	snop  }
0x3b: {  	_ = 	snop  }
0x3c: {  	p2 =	seq.s32 s10, $0x1;
	s10 =	sld [smem:$0x3FBA]  }
0x3d: {  	_ =	shalt  }
0x3e: {  	_ =	shalt  }
0x3f: {  	_ =	shalt  }
0x40: {  	_ =	shalt  }
0x41: {  	_ =	shalt  }
0x42: {  	_ =	shalt  }
0x43: {  	_ =	shalt  }
0x44: {  	_ =	shalt  }
0x45: {  	_ =	shalt  }
0x46: {  	_ =	shalt  }
0x47: {  	_ =	shalt  }
0x48: {  	_ =	shalt  }
0x49: {  	_ =	shalt  }
0x4a: {  	_ =	shalt  }
0x4b: {  	_ =	shalt  }
0x4c: {  	_ =	shalt  }
0x4d: {  	_ =	shalt  }
0x4e: {  	_ =	shalt  }
0x4f: {  	_ =	shalt  }
0x50: {  	_ =	shalt  }
0x51: {  	_ =	shalt  }
0x52: {  	_ =	shalt  }
0x53: {  	_ =	shalt  }
0x54: {  	_ =	shalt  }
0x55: {  	_ =	shalt  }
0x56: {  	_ =	shalt  }
0x57: {  	_ =	shalt  }
0x58: {  	_ =	shalt  }
0x59: {  	_ =	shalt  }
0x5a: {  	_ =	shalt  }
0x5b: {  	_ =	shalt  }
0x5c: {  	_ =	shalt  }
0x5d: {  	_ =	shalt  }
0x5e: {  	_ =	shalt  }
0x5f: {  	_ =	shalt  }
0x60: {  	_ =	shalt  }
0x61: {  	_ =	shalt  }
0x62: {  	_ =	shalt  }
0x63: {  	_ =	shalt  }
0x64: {  	_ =	shalt  }
0x65: {  	_ =	shalt  }
0x66: {  	_ =	shalt  }
0x67: {  	_ =	shalt  }
0x68: {  	_ =	shalt  }
0x69: {  	_ =	shalt  }
0x6a: {  	_ =	shalt  }
0x6b: {  	_ =	shalt  }
0x6c: {  	_ =	shalt  }
0x6d: {  	_ =	shalt  }
0x6e: {  	_ =	shalt  }
0x6f: {  	_ =	shalt  }
0x70: {  	_ =	shalt  }
0x71: {  	_ =	shalt  }
0x72: {  	_ =	shalt  }
0x73: {  	_ =	shalt  }
0x74: {  	_ =	shalt  }
0x75: {  	_ =	shalt  }
0x76: {  	_ =	shalt  }
0x77: {  	_ =	shalt  }
0x78: {  	_ =	shalt  }
0x79: {  	_ =	shalt  }
0x7a: {  	_ =	shalt  }
0x7b: {  	_ =	shalt  }
0x7c: {  	_ =	shalt  }
0x7d: {  	_ =	shalt  }
0x7e: {  	_ =	shalt  }
0x7f: {  	_ =	shalt  }
0x80: {  	_ =	shalt  }
0x81: {  	_ =	shalt  }
0x82: {  	_ =	shalt  }
0x83: {  	_ =	shalt  }
0x84: {  	_ =	shalt  }
0x85: {  	_ =	shalt  }
0x86: {  	_ =	shalt  }
0x87: {  	_ =	shalt  }
.Lfunc_end0:
.L_simem_size_0:
called_computation_lowered:
.L_overlay_start_0:
0x88: {  	s2 =	sld [smem:$0x3FD9]  }
0x89: {  	s3 =	sld [smem:$0x3FFE];
	_ =	sdelay $0x1  }
0x8a: {  	s1 =	srdreg.scid  }
0x8b: {  	s0 =	sand.u32 $0x1, s1  }
0x8c: {  	s14 =	sshll.u32 s0, $0xA;
	s2 =	sadd.s32 s3, s2  }
0x8d: {  	s2 =	sadd.s32 s2, s14  }
0x8e: {  	[smem:$0x3FC6] =	sst s2  }
0x8f: {  	_ = 	snop  }
0x90: {  	s2 =	sld [smem:$0x3FD0];
	_ =	sdelay $0x2  }
0x91: {  	s15 =	simm.s32 $0xA;
	s4 =	simm.s32 $0x10  }
0x92: {  	[smem:s4], [sflag:s15] =	dma.local [hbm:s2], $0x1  }
0x93: {  	_ =	swait.eq [sflag:s15], $0x1  }
0x94: {  	[sflag:s15] =	ssyncset.done $0x0  }
0x95: {  	s16 =	sld [smem:$0x10];
	[sflag:s15] =	ssyncadd.s32 $0xFFFFFFFF  }
0x96: {  	s17 =	sld [smem:$0x11];
	(tm) =	ssettm $0x1  }
0x97: {  	s18 =	sld [smem:$0x3FFB];
	_ =	sdelay $0x3  }
0x98: {  	_ =	strace s18  }
0x99: {  	s4 =	sld [smem:$0x3FFC];
	_ =	sdelay $0x3  }
0x9a: {  	_ =	strace s4  }
0x9b: {  	s4 =	sld [smem:$0x3FFD];
	_ =	sdelay $0x3  }
0x9c: {  	_ =	strace s4  }
0x9d: {  	_ =	strace $0x8FFFFFFF  }
0x9e: {  	s19 =	sld [smem:$0x3FDB];
	_ =	sdelay $0x1  }
0x9f: {  	s5 =	simm.s32 $_scs_section_size  }
0xa0: {  	s6 =	simm.s32 $_size__tile_overlayer_lowered;
	s7 =	simm.s32 $_tile_overlayer_lowered  }
0xa1: {  	s22 =	simm.s32 $0x1BFF;
	s21 =	sshll.u32 s7, $0x1;
	s4 =	sadd.s32 s5, s19  }
0xa2: {  	s8 =	simm.s32 $0x0;
	s20 =	sshll.u32 s6, $0x1;
	s6 =	sadd.s32 s21, s4  }
0xa3: {  	[timem:s8], [sflag:s22] =	dma.local [hbm:s6], s20  }
0xa4: {  	_ =	swait.ge [sflag:s22], s20  }
0xa5: {  	s5 =	ssub.s32 $0x0, s20;
	[sflag:s22] =	ssyncset.done $0x0  }
0xa6: {  	[sflag:s22] =	ssyncadd.s32 s5;
	_ =	sdelay $0x1  }
0xa7: {  	s23 =	simm.s32 $0x1B8B  }
0xa8: {  	_ =	swait.ge [sflag:s23], $0x1  }
0xa9: {  	[sflag:s23] =	ssyncset.done $0x0  }
0xaa: {  	s25 =	simm.s32 $0x1B8E;
	s24 =	sld [smem:$0x3FFE];
	[sflag:s23] =	ssyncadd.s32 $0xFFFFFFFF  }
0xab: {  	s26 =	simm.s32 $execute0_lowered;
	[smem:$0x3FD2] =	sst s25  }
0xac: {  	s6 =	sshll.u32 s26, $0x1;
	_ =	strace $0x80000046;
	[dreg:$0x1] =	wrdreg $0xFFFFFFFF  }
0xad: {  	s28 =	simm.s32 $_size_execute0_lowered;
	s4 =	sadd.s32 s4, s6;
	[dreg:$0x0] =	wrdreg $0x0  }
0xae: {  	s6 =	sshll.u32 s28, $0x1;
	[dreg:$0x2] =	wrdreg s4  }
0xaf: {  	[dreg:$0x3] =	wrdreg s6  }
0xb0: {  	[dreg:$0x4] =	wrdreg $0xC0  }
0xb1: {  	_ =	task [dreg:s8], $0x5FFFF  }
0xb2: {  	[dreg:$0x1] =	wrdreg $0xFFFFFFFF  }
0xb3: {  	[dreg:$0x0] =	wrdreg $0x60  }
0xb4: {  	[dreg:$0x2] =	wrdreg s24  }
0xb5: {  	[dreg:$0x3] =	wrdreg s17  }
0xb6: {  	[dreg:$0x4] =	wrdreg s16  }
0xb7: {  	[dreg:$0x5] =	wrdreg $0x9  }
0xb8: {  	_ =	task.clear_ibuf [dreg:s8], $0x6FFFF;
	_ =	strace $0x90000046  }
0xb9: {  	s29 =	simm.s32 $0x9;
	_ =	strace $0x80000048  }
0xba: {  	_ =	swait.ge [sflag:s29], $0x1  }
0xbb: {  	[sflag:s29] =	ssyncadd.s32 $0xFFFFFFFF  }
0xbc: {  	_ =	strace $0x90000048  }
0xbd: {  	_ =	sfence  }
0xbe: {  	s30 =	sld [smem:$0x0];
	_ =	sdelay $0x2  }
0xbf: {  	s31 =	sshll.u32 s1, $0xD;
	s1 =	sshrl.u32 s1, $0x2  }
0xc0: {  	s3 =	sand.u32 $0x4000, s31;
	s1 =	sadd.s32 s1, s30  }
0xc1: {  	s0 =	sor.u32 s3, s0;
	s1 =	sshll.u32 s1, $0x11  }
0xc2: {  	s0 =	sor.u32 s1, s0  }
0xc3: {  	s0 =	sadd.s32 $0x8F2B, s0  }
0xc4: {  	[sflag:s0] =	ssyncadd.remote.s32 $0x1  }
0xc5: {  	_ =	sfence.sel $0xFFFF  }
0xc6: {  	[dreg:$0x0] =	wrdreg $0xFFFFFFFF;
	(pc) =	sbr.abs _section_cstart, $3  }
0xc7: {  	[dreg:$0x1] =	wrdreg $0xFFFFFFFF  }
0xc8: {  	_ =	task.clear_ibuf [dreg:s8], $0x2FFFF;
	_ =	strace $0x9FFFFFFF  }
0xc9: {  	(tm) =	ssettm $0x7FFFFFFF  }
tec
execute0_lowered:
.L_overlay_start_1:
0x0: {  	(tag) =	ssettag $0x1  }
0x1: {  	s0 =	rddreg [dreg:$0x0]  }
0x2: {  	s1 =	rddreg [dreg:$0x1]  }
0x3: {  	s2 =	srdreg.scid;
	s5 =	stileid.u32  }
0x4: {  	s3 =	rddreg [dreg:$0x2];
	s17 =	simm.s32 $0x1;
	s25 =	simm.s32 $0x2000  }
0x5: {  	s4 =	sand.u32 $0x1, s2;
	s5 =	sshll.u32 s5, $0x1;
	s2 =	simm.s32 $0x0  }
0x6: {  	s31 =	simm.s32 $0x0;
	s5 =	sor.u32 s4, s5;
	[smem:$0x7FF] =	sst s2  }
0x7: {  	s4 =	ssub.s32 $0x2, s4;
	s11 =	sshll.u32 s5, $0x7;
	_ =	strace $0x80000047  }
0x8: {  	s6 =	sshrl.u32 s4, $0x1;
	s30 =	sshll.u32 s5, $0x4;
	s0 =	sadd.s32 s11, s0  }
0x9: {  	s4 =	ssub.s32 s4, s6;
	s11 =	sadd.s32 s1, s11;
	s15 =	sadd.s32 s3, s30  }
0xa: {  	s26 =	sadd.s32 $0xC00, s0;
	s28 =	sadd.s32 $0x1C00, s0;
	s29 =	sadd.s32 $0x2C00, s0  }
0xb: {  	s6 =	sadd.s32 $0x3C00, s0;
	s7 =	sadd.s32 $0x4C00, s0;
	s8 =	sadd.s32 $0x5C00, s0  }
0xc: {  	s9 =	sadd.s32 $0x6C00, s0;
	s10 =	sadd.s32 $0x7C00, s0;
	[dreg:$0x4] =	wrdreg s26  }
0xd: {  	s12 =	sadd.s32 $0x8C00, s0;
	s13 =	sadd.s32 $0x9C00, s0;
	[dreg:$0x5] =	wrdreg s28  }
0xe: {  	v0 =	vimm.s32 $0x8;
	v1 =	vimm.f32 $0.0e+00;
	s14 =	sadd.s32 $0xAC00, s0;
	s16 =	smax.u32 s4, $0x1;
	[dreg:$0x6] =	wrdreg s29  }
.LBB2_1:
0xf: {  	s0 =	rddreg [dreg:$0x4]  }
0x10: {  	[tilespmem:s2], [sflag:$0x1] =	stream.linear.gather [hbm4b:s0+s2], $0x400, $0x38;
	[tilespmem:$0x3080] =	vst v63  }
0x11: {  	_ =	swait.ge [sflag:s17], $0x400  }
0x12: {  	[sflag:s17] =	ssyncset.done $0x0  }
0x13: {  	s1 =	simm.s32 $0x400;
	s5 =	rddreg [dreg:$0x5];
	[sflag:s17] =	ssyncadd.s32 $0xFFFFFC00  }
0x14: {  	[tilespmem:s1], [sflag:$0x1] =	stream.linear.gather [hbm4b:s5+s2], $0x400, $0x38;
	[tilespmem:$0x3080] =	vst v63  }
0x15: {  	_ =	swait.ge [sflag:s17], $0x400  }
0x16: {  	[sflag:s17] =	ssyncset.done $0x0  }
0x17: {  	s19 =	simm.s32 $0x800;
	s18 =	rddreg [dreg:$0x6];
	[sflag:s17] =	ssyncadd.s32 $0xFFFFFC00  }
0x18: {  	[tilespmem:s19], [sflag:$0x1] =	stream.linear.gather [hbm4b:s18+s2], $0x400, $0x38;
	[tilespmem:$0x3080] =	vst v63  }
0x19: {  	_ =	swait.ge [sflag:s17], $0x400  }
0x1a: {  	[sflag:s17] =	ssyncset.done $0x0  }
0x1b: {  	s20 =	simm.s32 $0xC00;
	[sflag:s17] =	ssyncadd.s32 $0xFFFFFC00  }
0x1c: {  	[tilespmem:s20], [sflag:$0x1] =	stream.linear.gather [hbm4b:s6+s2], $0x400, $0x38;
	[tilespmem:$0x3080] =	vst v63  }
0x1d: {  	_ =	swait.ge [sflag:s17], $0x400  }
0x1e: {  	[sflag:s17] =	ssyncset.done $0x0  }
0x1f: {  	s21 =	simm.s32 $0x1000;
	[sflag:s17] =	ssyncadd.s32 $0xFFFFFC00  }
0x20: {  	[tilespmem:s21], [sflag:$0x1] =	stream.linear.gather [hbm4b:s7+s2], $0x400, $0x38;
	[tilespmem:$0x3080] =	vst v63  }
0x21: {  	_ =	swait.ge [sflag:s17], $0x400  }
0x22: {  	[sflag:s17] =	ssyncset.done $0x0  }
0x23: {  	s22 =	simm.s32 $0x1400;
	[sflag:s17] =	ssyncadd.s32 $0xFFFFFC00  }
0x24: {  	[tilespmem:s22], [sflag:$0x1] =	stream.linear.gather [hbm4b:s8+s2], $0x400, $0x38;
	[tilespmem:$0x3080] =	vst v63  }
0x25: {  	_ =	swait.ge [sflag:s17], $0x400  }
0x26: {  	[sflag:s17] =	ssyncset.done $0x0  }
0x27: {  	s23 =	simm.s32 $0x1800;
	[sflag:s17] =	ssyncadd.s32 $0xFFFFFC00  }
0x28: {  	[tilespmem:s23], [sflag:$0x1] =	stream.linear.gather [hbm4b:s9+s2], $0x400, $0x38;
	[tilespmem:$0x3080] =	vst v63  }
0x29: {  	_ =	swait.ge [sflag:s17], $0x400  }
0x2a: {  	[sflag:s17] =	ssyncset.done $0x0  }
0x2b: {  	s24 =	simm.s32 $0x1C00;
	[sflag:s17] =	ssyncadd.s32 $0xFFFFFC00  }
0x2c: {  	[tilespmem:s24], [sflag:$0x1] =	stream.linear.gather [hbm4b:s10+s2], $0x400, $0x38;
	[tilespmem:$0x3080] =	vst v63  }
0x2d: {  	_ =	swait.ge [sflag:s17], $0x400  }
0x2e: {  	[sflag:s17] =	ssyncset.done $0x0  }
0x2f: {  	s26 =	sand.u32 $0x3F0, s2;
	[sflag:s17] =	ssyncadd.s32 $0xFFFFFC00  }
0x30: {  	v2 =	vld [tilespmem:s26+$0x400]  }
0x31: {  	v3 =	vld [tilespmem:s2+$0x0]  }
0x32: {  	v4 =	vld [tilespmem:s26+$0x800]  }
0x33: {  	v5 =	vld [tilespmem:s26+$0xC00]  }
0x34: {  	v6 =	vld [tilespmem:s26+$0x1000]  }
0x35: {  	v7 =	vld [tilespmem:s26+$0x1400]  }
0x36: {  	v8 =	vld [tilespmem:s26+$0x1800];
	v9 =	vmax.f32 v3, v2  }
0x37: {  	v11 =	vld [tilespmem:s26+$0x1C00];
	v9 =	vmax.f32 v9, v4  }
0x38: {  	v9 =	vmax.f32 v9, v5  }
0x39: {  	v9 =	vmax.f32 v9, v6  }
0x3a: {  	v9 =	vmax.f32 v9, v7  }
0x3b: {  	v9 =	vmax.f32 v9, v8  }
0x3c: {  	v10 =	vmax.f32 v3, $-3.000000010e+38;
	v9 =	vmax.f32 v9, v11  }
0x3d: {  	vm8 =	vne.f32 v3, v9;
	vm7 =	veq.f32 v3, v9;
	v12 =	vsub.f32 v3, v9  }
0x3e: {  	vm0 =	veq.f32 v11, v9;
	vm1 =	veq.f32 v8, v9;
	v13 =	vsub.f32 v2, v9  }
0x3f: {  	v15 =	vsub.f32 v5, v9;
	vm2 =	veq.f32 v6, v9;
	v16 =	vsub.f32 v4, v9  }
0x40: {  	v44 =	vsub.f32 v7, v9;
	vm3 =	veq.f32 v4, v9;
	vm4 =	veq.f32 v2, v9  }
0x41: {  	v47 =	vsub.f32 v6, v9;
	v50 =	vsub.f32 v8, v9;
	v12 =	vmul.f32 $1.442695020e+00, v12  }
0x42: {  	v51 =	vsub.f32 v11, v9;
	v14 =	vsel vm0, $0x7, v0;
	vm0 =	veq.f32 v7, v9  }
0x43: {  	v10 =	vsel vm7, $0xFF61B1E6, v10;
	v13 =	vmul.f32 $1.442695020e+00, v13;
	(erf) = vpow2.f32 v12  }
0x44: {  	v14 =	vsel vm1, $0x6, v14;
	vm1 =	veq.f32 v5, v9;
	v43 =	vmul.f32 $1.442695020e+00, v16  }
0x45: {  	v46 =	vmul.f32 $1.442695020e+00, v44;
	v45 =	vsel vm0, $0x5, v14;
	(erf) = vpow2.f32 v13  }
0x46: {  	v15 =	vmul.f32 $1.442695020e+00, v15;
	vm0 =	vmand vm8, vm4;
	v48 =	vsel vm2, $0x4, v45  }
0x47: {  	v49 =	vsel vm0, $0xFF61B1E6, v2;
	v12 =	vsel vm1, $0x3, v48;
	(erf) = vpow2.f32 v43  }
0x48: {  	v16 =	vmul.f32 $1.442695020e+00, v47;
	v13 =	vmax.f32 v10, v49;
	v12 =	vsel vm3, $0x2, v12  }
0x49: {  	(erf) = vpow2.f32 v15;
	v10 =	vsel vm4, $0x1, v12;
	v15 =	vmul.f32 $1.442695020e+00, v50  }
0x4a: {  	v12 =	vmul.f32 $1.442695020e+00, v51;
	(erf) = vpow2.f32 v16;
	v10 =	vsel vm7, $0x0, v10  }
0x4b: {  	vm2 =	veq.s32 v10, $0x2;
	vm1 =	veq.s32 v10, $0x3;
	vm5 =	veq.s32 v10, $0x5  }
0x4c: {  	vm4 =	veq.s32 v10, $0x7;
	vm3 =	veq.s32 v10, $0x4;
	v54 =	vsel vm2, $0xFF61B1E6, v4;
	v52 =	vpop (erf)  }
0x4d: {  	v55 =	vsel vm1, $0xFF61B1E6, v5;
	(erf) = vpow2.f32 v46;
	v53 =	vadd.f32 $0.0e+00, v52  }
0x4e: {  	v60 =	vsel vm3, $0xFF61B1E6, v6;
	v13 =	vmax.f32 v13, v54;
	v17 =	vpop (erf);
	(erf) = vpow2.f32 v15  }
0x4f: {  	(erf) = vpow2.f32 v12;
	v12 =	vmax.f32 v13, v55;
	v14 =	vadd.f32 v53, v17  }
0x50: {  	vm6 =	veq.s32 v10, $0x6;
	v57 =	vsel vm5, $0xFF61B1E6, v7;
	v56 =	vpop (erf);
	v12 =	vmax.f32 v12, v60  }
0x51: {  	v18 =	vsel vm6, $0xFF61B1E6, v8;
	v12 =	vmax.f32 v12, v57;
	v14 =	vadd.f32 v14, v56  }
0x52: {  	v58 =	vsel vm4, $0xFF61B1E6, v11;
	v59 =	vpop (erf);
	v12 =	vmax.f32 v12, v18  }
0x53: {  	v12 =	vmax.f32 v12, v58;
	v14 =	vadd.f32 v14, v59  }
0x54: {  	vm10 =	vne.s32 v10, $0x6;
	vm11 =	vne.s32 v10, $0x4;
	v61 =	vpop (erf);
	v9 =	vsub.f32 v12, v9  }
0x55: {  	vm12 =	vne.s32 v10, $0x7;
	vm9 =	vne.s32 v10, $0x3;
	v62 =	vadd.f32 v14, v61  }
0x56: {  	vm13 =	vne.s32 v10, $0x5;
	vm14 =	veq.f32 v11, v12;
	v63 =	vpop (erf);
	v9 =	vmul.f32 $1.442695020e+00, v9  }
0x57: {  	vm15 =	veq.f32 v7, v12;
	vm12 =	vmand vm12, vm14;
	v13 =	vadd.f32 v62, v63  }
0x58: {  	vm14 =	veq.f32 v6, v12;
	vm13 =	vmand vm13, vm15;
	v7 =	vpop (erf);
	(erf) = vpow2.f32 v9  }
0x59: {  	v9 =	vimm.f32 $0.0e+00;
	v6 =	vadd.f32 v13, v7;
	v7 =	vsel vm12, $0x7, v0  }
0x5a: {  	vm12 =	vmand vm11, vm14;
	vm14 =	veq.f32 v8, v12;
	vm11 =	veq.f32 v5, v12  }
0x5b: {  	v11 =	vpop (erf);
	v8 =	vimm.f32 $0.0e+00;
	vm14 =	vmand vm10, vm14;
	vm10 =	veq.f32 v4, v12  }
0x5c: {  	s29 =	simm.s32 $0x20;
	s30 =	simm.s32 $0x2820;
	s4 =	simm.s32 $0x2C20;
	v5 =	vadd.f32 v6, v11;
	v4 =	vsel vm14, $0x6, v7;
	vm14 =	veq.f32 v3, v12  }
0x5d: {  	s3 =	simm.s32 $0x2C00;
	s28 =	simm.s32 $0x10;
	s0 =	simm.s32 $0x2810;
	v7 =	vimm.f32 $0.0e+00;
	v6 =	vimm.f32 $0.0e+00;
	v3 =	vimm.f32 $0.0e+00  }
0x5e: {  	s1 =	simm.s32 $0x2C10;
	s18 =	simm.s32 $0x2410;
	s21 =	simm.s32 $0x10;
	v4 =	vsel vm13, $0x5, v4;
	vm13 =	veq.f32 v2, v12;
	(erf) = vrcp.f32 v5  }
0x5f: {  	s19 =	simm.s32 $0x2010;
	s20 =	sand.u32 $0x3F0, s21;
	s22 =	simm.s32 $0x2010;
	vm7 =	vmor vm7, vm14;
	v2 =	vimm.f32 $0.0e+00;
	v11 =	vsel vm12, $0x4, v4  }
0x60: {  	s23 =	simm.s32 $0x2410;
	s24 =	simm.s32 $0x2800;
	s26 =	simm.s32 $0x2400;
	[tilespmem:s25+$0x0] =	vst v10;
	vm12 =	vmand vm14, vm8;
	v4 =	vimm.f32 $0.0e+00;
	v5 =	vimm.f32 $0.0e+00  }
.LBB2_2:
0x61: {  	s21 =	sadd.s32 $0x10, s21;
	s22 =	sadd.s32 $0x10, s22;
	s23 =	sadd.s32 $0x10, s23;
	v12 =	vsel vm7, $0x3F800000, v1  }
0x62: {  	s5 =	sand.u32 $0x3F0, s29;
	p0 =	sne.s32 s29, $0x3F0;
	s29 =	sadd.s32 $0x10, s29;
	vm7 =	vmand vm9, vm11;
	vm8 =	vne.s32 v10, $0x2;
	v9 =	vadd.f32 v12, v9  }
0x63: {  	v11 =	vsel vm7, $0x3, v11;
	vm7 =	vmand vm8, vm10;
	vm8 =	vne.s32 v10, $0x1  }
0x64: {  	v10 =	vsel vm7, $0x2, v11;
	vm7 =	vmand vm8, vm13;
	vm8 =	vmneg vm12  }
0x65: {  	v10 =	vsel vm7, $0x1, v10;
	vm7 =	vmand vm8, vm7  }
0x66: {  	v10 =	vsel vm12, $0x0, v10;
	vm0 =	vmor vm0, vm7;
	v11 =	vpop (erf)  }
0x67: {  	vm8 =	veq.s32 v10, $0x2;
	vm9 =	veq.s32 v10, $0x3;
	vm7 =	veq.s32 v10, $0x4;
	[tilespmem:s26+$0x0] =	vst v10;
	v12 =	vpop (erf);
	s26 =	smov.u32 s18;
	s18 =	smov.u32 s23  }
0x68: {  	vm10 =	veq.s32 v10, $0x5;
	vm11 =	veq.s32 v10, $0x6;
	[tilespmem:s24+$0x0] =	vst v12;
	v11 =	vmul.f32 v11, v12;
	s24 =	smov.u32 s0;
	s0 =	smov.u32 s30  }
0x69: {  	vm5 =	vmor vm5, vm10;
	vm6 =	vmor vm6, vm11;
	vm10 =	veq.s32 v10, $0x7  }
0x6a: {  	v10 =	vsel vm5, $0x3F800000, v1;
	v12 =	vsel vm6, $0x3F800000, v1;
	vm4 =	vmor vm4, vm10;
	[tilespmem:s3+$0x0] =	vst v11;
	s3 =	smov.u32 s1;
	s1 =	smov.u32 s4  }
0x6b: {  	vm2 =	vmor vm2, vm8;
	v7 =	vadd.f32 v10, v7;
	v8 =	vadd.f32 v12, v8;
	v11 =	vld [tilespmem:s20+$0x400]  }
0x6c: {  	vm1 =	vmor vm1, vm9;
	v10 =	vsel vm2, $0x3F800000, v1;
	v15 =	vsel vm4, $0x3F800000, v1;
	v12 =	vld [tilespmem:s28+$0x0];
	s28 =	smov.u32 s21  }
0x6d: {  	v6 =	vadd.f32 v10, v6;
	v10 =	vsel vm1, $0x3F800000, v1;
	vm1 =	vmor vm3, vm7;
	v13 =	vld [tilespmem:s20+$0x800]  }
0x6e: {  	v5 =	vadd.f32 v15, v5;
	v4 =	vadd.f32 v10, v4;
	v10 =	vsel vm1, $0x3F800000, v1;
	v14 =	vld [tilespmem:s20+$0xC00]  }
0x6f: {  	v16 =	vsel vm0, $0x3F800000, v1;
	v3 =	vadd.f32 v10, v3;
	v15 =	vld [tilespmem:s20+$0x1000]  }
0x70: {  	v2 =	vadd.f32 v16, v2;
	v17 =	vld [tilespmem:s20+$0x1400]  }
0x71: {  	v16 =	vld [tilespmem:s20+$0x1800];
	v10 =	vmax.f32 v12, v11  }
0x72: {  	v18 =	vld [tilespmem:s20+$0x1C00];
	v10 =	vmax.f32 v10, v13;
	s20 =	smov.u32 s5  }
0x73: {  	v10 =	vmax.f32 v10, v14  }
0x74: {  	v10 =	vmax.f32 v10, v15  }
0x75: {  	v10 =	vmax.f32 v10, v17  }
0x76: {  	v10 =	vmax.f32 v10, v16  }
0x77: {  	v19 =	vmax.f32 v10, v18;
	v10 =	vmax.f32 v12, $-3.000000010e+38  }
0x78: {  	vm7 =	vne.f32 v12, v19;
	vm8 =	veq.f32 v12, v19;
	v20 =	vsub.f32 v12, v19  }
0x79: {  	vm0 =	veq.f32 v18, v19;
	vm1 =	veq.f32 v16, v19;
	v21 =	vsub.f32 v11, v19  }
0x7a: {  	v23 =	vsub.f32 v14, v19;
	v22 =	vsel vm0, $0x7, v0;
	v20 =	vmul.f32 $1.442695020e+00, v20  }
0x7b: {  	vm2 =	veq.f32 v15, v19;
	v24 =	vsub.f32 v13, v19;
	v21 =	vmul.f32 $1.442695020e+00, v21  }
0x7c: {  	v22 =	vsel vm1, $0x6, v22;
	vm1 =	veq.f32 v14, v19;
	(erf) = vpow2.f32 v20  }
0x7d: {  	vm0 =	veq.f32 v17, v19;
	v20 =	vmul.f32 $1.442695020e+00, v24;
	v24 =	vsub.f32 v17, v19  }
0x7e: {  	vm3 =	veq.f32 v13, v19;
	vm4 =	veq.f32 v11, v19;
	(erf) = vpow2.f32 v21  }
0x7f: {  	v21 =	vsel vm0, $0x5, v22;
	vm0 =	vmand vm7, vm4;
	v22 =	vmul.f32 $1.442695020e+00, v24  }
0x80: {  	v23 =	vmul.f32 $1.442695020e+00, v23;
	v24 =	vsub.f32 v15, v19;
	(erf) = vpow2.f32 v20  }
0x81: {  	v10 =	vsel vm8, $0xFF61B1E6, v10;
	v20 =	vsel vm2, $0x4, v21;
	v21 =	vsel vm0, $0xFF61B1E6, v11  }
0x82: {  	v25 =	vmul.f32 $1.442695020e+00, v24;
	v20 =	vsel vm1, $0x3, v20;
	(erf) = vpow2.f32 v23  }
0x83: {  	v21 =	vmax.f32 v10, v21;
	v20 =	vsel vm3, $0x2, v20;
	v23 =	vsub.f32 v16, v19  }
0x84: {  	v10 =	vsel vm4, $0x1, v20;
	v20 =	vsub.f32 v18, v19;
	(erf) = vpow2.f32 v25  }
0x85: {  	v10 =	vsel vm8, $0x0, v10;
	v23 =	vmul.f32 $1.442695020e+00, v23;
	v24 =	vpop (erf);
	(erf) = vpow2.f32 v22  }
0x86: {  	vm2 =	veq.s32 v10, $0x2;
	v20 =	vmul.f32 $1.442695020e+00, v20;
	v22 =	vadd.f32 $0.0e+00, v24;
	[tilespmem:s19+$0x0] =	vst v10;
	s19 =	smov.u32 s22  }
0x87: {  	vm1 =	veq.s32 v10, $0x3;
	v24 =	vsel vm2, $0xFF61B1E6, v13;
	v25 =	vpop (erf);
	(erf) = vpow2.f32 v23  }
0x88: {  	v21 =	vmax.f32 v21, v24;
	v22 =	vadd.f32 v22, v25;
	(erf) = vpow2.f32 v20  }
0x89: {  	vm5 =	veq.s32 v10, $0x5;
	vm4 =	veq.s32 v10, $0x7;
	v20 =	vsel vm1, $0xFF61B1E6, v14;
	v23 =	vpop (erf)  }
0x8a: {  	v20 =	vmax.f32 v21, v20;
	v21 =	vsel vm5, $0xFF61B1E6, v17;
	v22 =	vadd.f32 v22, v23  }
0x8b: {  	vm3 =	veq.s32 v10, $0x4;
	vm6 =	veq.s32 v10, $0x6;
	v23 =	vsel vm4, $0xFF61B1E6, v18;
	v24 =	vpop (erf)  }
0x8c: {  	v26 =	vsel vm6, $0xFF61B1E6, v16;
	v25 =	vsel vm3, $0xFF61B1E6, v15;
	v27 =	vadd.f32 v22, v24  }
0x8d: {  	vm10 =	vne.s32 v10, $0x6;
	vm11 =	vne.s32 v10, $0x4;
	v20 =	vmax.f32 v20, v25;
	v24 =	vpop (erf)  }
0x8e: {  	vm12 =	vne.s32 v10, $0x7;
	v20 =	vmax.f32 v20, v21;
	v21 =	vadd.f32 v27, v24;
	v22 =	vpop (erf)  }
0x8f: {  	vm9 =	vne.s32 v10, $0x3;
	v20 =	vmax.f32 v20, v26  }
0x90: {  	vm13 =	vne.s32 v10, $0x5;
	v20 =	vmax.f32 v20, v23;
	v21 =	vadd.f32 v21, v22;
	v22 =	vpop (erf)  }
0x91: {  	vm14 =	veq.f32 v18, v20;
	vm15 =	veq.f32 v17, v20;
	v17 =	vsub.f32 v20, v19;
	v18 =	vpop (erf)  }
0x92: {  	vm12 =	vmand vm12, vm14;
	vm14 =	veq.f32 v15, v20;
	v15 =	vadd.f32 v21, v22  }
0x93: {  	v19 =	vsel vm12, $0x7, v0;
	vm12 =	vmand vm11, vm14;
	v17 =	vmul.f32 $1.442695020e+00, v17  }
.Ltmp0:
0x94: {  	vm14 =	veq.f32 v16, v20;
	vm11 =	veq.f32 v14, v20;
	v14 =	vadd.f32 v15, v18;
	(pc) =	sbr.rel @p0 .LBB2_2-.Ltmp0, $4  }
0x95: {  	vm14 =	vmand vm10, vm14;
	vm10 =	veq.f32 v13, v20;
	(erf) = vpow2.f32 v17  }
0x96: {  	vm13 =	vmand vm13, vm15;
	v13 =	vsel vm14, $0x6, v19;
	(erf) = vrcp.f32 v14  }
0x97: {  	vm14 =	veq.f32 v12, v20;
	v13 =	vsel vm13, $0x5, v13;
	vm13 =	veq.f32 v11, v20  }
0x98: {  	s30 =	sadd.s32 $0x10, s30;
	s4 =	sadd.s32 $0x10, s4;
	v11 =	vsel vm12, $0x4, v13;
	vm12 =	vmand vm14, vm7;
	vm7 =	vmor vm8, vm14  }
0x99: {  	_ =	sdelay $0x1  }
0x9a: {  	vm8 =	vmand vm9, vm11;
	vm14 =	vne.s32 v10, $0x2  }
0x9b: {  	v11 =	vsel vm8, $0x3, v11;
	vm15 =	vmand vm14, vm10;
	vm14 =	vne.s32 v10, $0x1  }
0x9c: {  	v49 =	vsel vm15, $0x2, v11;
	vm15 =	vmand vm14, vm13  }
0x9d: {  	v10 =	vsel vm15, $0x1, v49;
	v50 =	vpop (erf)  }
0x9e: {  	v15 =	vsel vm12, $0x0, v10;
	v51 =	vpop (erf)  }
0x9f: {  	[tilespmem:s26+$0x0] =	vst v15;
	v11 =	vmul.f32 v50, v51  }
0xa0: {  	[tilespmem:s24+$0x0] =	vst v51  }
0xa1: {  	[tilespmem:s3+$0x0] =	vst v11  }
0xa2: {  	vm11 =	vmneg vm12;
	v11 =	vld [tilespmem:s20+$0x400]  }
0xa3: {  	v52 =	vsel vm7, $0x3F800000, v1;
	vm7 =	vmand vm11, vm15;
	v12 =	vld [tilespmem:s28+$0x0]  }
0xa4: {  	v10 =	vadd.f32 v52, v9;
	vm0 =	vmor vm0, vm7;
	v13 =	vld [tilespmem:s20+$0x800]  }
0xa5: {  	vm7 =	veq.s32 v15, $0x2;
	vm8 =	veq.s32 v15, $0x3;
	vm12 =	veq.s32 v15, $0x4;
	v14 =	vld [tilespmem:s20+$0xC00]  }
0xa6: {  	vm13 =	veq.s32 v15, $0x5;
	vm14 =	veq.s32 v15, $0x6;
	vm15 =	veq.s32 v15, $0x7;
	v16 =	vld [tilespmem:s20+$0x1000]  }
0xa7: {  	v60 =	vsel vm0, $0x3F800000, v1;
	vm5 =	vmor vm5, vm13;
	vm6 =	vmor vm6, vm14;
	v53 =	vld [tilespmem:s20+$0x1400]  }
0xa8: {  	vm4 =	vmor vm4, vm15;
	vm2 =	vmor vm2, vm7;
	v18 =	vld [tilespmem:s20+$0x1800];
	v19 =	vmax.f32 v12, v11  }
0xa9: {  	vm1 =	vmor vm1, vm8;
	vm11 =	vmor vm3, vm12;
	v20 =	vld [tilespmem:s20+$0x1C00];
	v19 =	vmax.f32 v19, v13  }
0xaa: {  	v54 =	vsel vm5, $0x3F800000, v1;
	v17 =	vsel vm6, $0x3F800000, v1;
	v55 =	vmax.f32 v19, v14  }
0xab: {  	v9 =	vadd.f32 v54, v7;
	v7 =	vadd.f32 v17, v8;
	v8 =	vmax.f32 v55, v16  }
0xac: {  	v2 =	vadd.f32 v60, v2;
	v56 =	vsel vm2, $0x3F800000, v1;
	v8 =	vmax.f32 v8, v53  }
0xad: {  	v57 =	vsel vm4, $0x3F800000, v1;
	v58 =	vsel vm1, $0x3F800000, v1;
	v21 =	vmax.f32 v8, v18  }
0xae: {  	v59 =	vsel vm11, $0x3F800000, v1;
	v6 =	vadd.f32 v56, v6;
	v21 =	vmax.f32 v21, v20  }
0xaf: {  	v3 =	vadd.f32 v59, v3;
	v22 =	vmax.f32 v12, $-3.000000010e+38;
	v61 =	vsub.f32 v12, v21  }
0xb0: {  	v8 =	vadd.f32 v58, v4;
	v4 =	vadd.f32 v57, v5;
	vm0 =	vne.f32 v12, v21  }
0xb1: {  	vm1 =	veq.f32 v12, v21;
	v23 =	vsub.f32 v11, v21;
	v19 =	vmul.f32 $1.442695020e+00, v61  }
0xb2: {  	vm12 =	veq.f32 v20, v21;
	vm13 =	veq.f32 v18, v21;
	v25 =	vsub.f32 v14, v21  }
0xb3: {  	v26 =	vsub.f32 v13, v21;
	v23 =	vmul.f32 $1.442695020e+00, v23;
	(erf) = vpow2.f32 v19  }
0xb4: {  	vm14 =	veq.f32 v16, v21;
	vm15 =	veq.f32 v14, v21;
	vm9 =	veq.f32 v53, v21  }
0xb5: {  	v28 =	vsub.f32 v53, v21;
	v63 =	vmul.f32 $1.442695020e+00, v26;
	(erf) = vpow2.f32 v23  }
0xb6: {  	vm10 =	veq.f32 v13, v21;
	vm11 =	veq.f32 v11, v21;
	v29 =	vsub.f32 v16, v21  }
0xb7: {  	v24 =	vsel vm12, $0x7, v0;
	v25 =	vmul.f32 $1.442695020e+00, v25;
	(erf) = vpow2.f32 v63  }
0xb8: {  	v32 =	vsub.f32 v18, v21;
	v33 =	vsub.f32 v20, v21;
	v62 =	vsel vm13, $0x6, v24  }
0xb9: {  	v30 =	vmul.f32 $1.442695020e+00, v29;
	v19 =	vsel vm9, $0x5, v62;
	(erf) = vpow2.f32 v25  }
0xba: {  	vm2 =	vmand vm0, vm11;
	v22 =	vsel vm1, $0xFF61B1E6, v22;
	v19 =	vsel vm14, $0x4, v19  }
0xbb: {  	v23 =	vmul.f32 $1.442695020e+00, v28;
	v19 =	vsel vm15, $0x3, v19;
	(erf) = vpow2.f32 v30  }
0xbc: {  	v31 =	vsel vm2, $0xFF61B1E6, v11;
	v26 =	vmul.f32 $1.442695020e+00, v32;
	v19 =	vsel vm10, $0x2, v19;
	v34 =	vpop (erf)  }
0xbd: {  	v19 =	vsel vm11, $0x1, v19;
	(erf) = vpow2.f32 v23;
	v23 =	vadd.f32 $0.0e+00, v34  }
0xbe: {  	v24 =	vmul.f32 $1.442695020e+00, v33;
	v22 =	vmax.f32 v22, v31;
	v19 =	vsel vm1, $0x0, v19;
	v35 =	vpop (erf)  }
0xbf: {  	vm4 =	veq.s32 v19, $0x2;
	(erf) = vpow2.f32 v26;
	v23 =	vadd.f32 v23, v35  }
0xc0: {  	vm5 =	veq.s32 v19, $0x3;
	vm8 =	veq.s32 v19, $0x5;
	v36 =	vsel vm4, $0xFF61B1E6, v13;
	v38 =	vpop (erf)  }
0xc1: {  	v37 =	vmax.f32 v22, v36;
	(erf) = vpow2.f32 v24;
	v22 =	vadd.f32 v23, v38  }
0xc2: {  	vm3 =	veq.s32 v19, $0x7;
	vm6 =	veq.s32 v19, $0x4;
	v39 =	vsel vm5, $0xFF61B1E6, v14;
	v40 =	vpop (erf)  }
0xc3: {  	v41 =	vsel vm6, $0xFF61B1E6, v16;
	v17 =	vmax.f32 v37, v39;
	v22 =	vadd.f32 v22, v40  }
0xc4: {  	vm7 =	veq.s32 v19, $0x6;
	v42 =	vsel vm8, $0xFF61B1E6, v53;
	v17 =	vmax.f32 v17, v41;
	v43 =	vpop (erf)  }
0xc5: {  	v44 =	vsel vm7, $0xFF61B1E6, v18;
	v17 =	vmax.f32 v17, v42;
	v22 =	vadd.f32 v22, v43  }
0xc6: {  	vm9 =	vne.s32 v19, $0x6;
	v45 =	vsel vm3, $0xFF61B1E6, v20;
	v17 =	vmax.f32 v17, v44;
	v46 =	vpop (erf)  }
0xc7: {  	vm10 =	vne.s32 v19, $0x4;
	v5 =	vmax.f32 v17, v45;
	v47 =	vadd.f32 v22, v46  }
0xc8: {  	vm11 =	vne.s32 v19, $0x7;
	vm12 =	vne.s32 v19, $0x3;
	v21 =	vsub.f32 v5, v21;
	v48 =	vpop (erf)  }
0xc9: {  	vm13 =	vne.s32 v19, $0x5;
	vm14 =	veq.f32 v20, v5;
	v17 =	vadd.f32 v47, v48  }
0xca: {  	vm15 =	veq.f32 v53, v5;
	vm11 =	vmand vm11, vm14;
	v50 =	vmul.f32 $1.442695020e+00, v21;
	v49 =	vpop (erf)  }
0xcb: {  	vm14 =	veq.f32 v16, v5;
	v51 =	vsel vm11, $0x7, v0;
	v15 =	vadd.f32 v17, v49  }
0xcc: {  	vm11 =	veq.f32 v18, v5;
	vm10 =	vmand vm10, vm14;
	(erf) = vpow2.f32 v50  }
0xcd: {  	vm14 =	veq.f32 v11, v5;
	vm9 =	vmand vm9, vm11;
	(erf) = vrcp.f32 v15  }
0xce: {  	vm11 =	veq.f32 v14, v5;
	v52 =	vsel vm9, $0x6, v51;
	vm9 =	vmand vm13, vm15  }
0xcf: {  	vm13 =	veq.f32 v13, v5;
	vm12 =	vmand vm12, vm11;
	v53 =	vsel vm9, $0x5, v52  }
0xd0: {  	vm15 =	vne.s32 v19, $0x2;
	vm9 =	veq.f32 v12, v5;
	v54 =	vsel vm10, $0x4, v53  }
0xd1: {  	v5 =	vsel vm12, $0x3, v54;
	vm12 =	vmand vm15, vm13;
	vm13 =	vne.s32 v19, $0x1  }
0xd2: {  	vm0 =	vmand vm9, vm0;
	v5 =	vsel vm12, $0x2, v5;
	vm14 =	vmand vm13, vm14  }
0xd3: {  	vm1 =	vmor vm1, vm9;
	vm15 =	vmneg vm0;
	v5 =	vsel vm14, $0x1, v5  }
0xd4: {  	v55 =	vsel vm1, $0x3F800000, v1;
	vm11 =	vmand vm15, vm14;
	v5 =	vsel vm0, $0x0, v5  }
0xd5: {  	v10 =	vadd.f32 v55, v10;
	vm0 =	vmor vm2, vm11;
	vm1 =	veq.s32 v5, $0x2;
	v56 =	vpop (erf)  }
0xd6: {  	[tilespmem:s19+$0x0] =	vst v19;
	vm12 =	veq.s32 v5, $0x3;
	vm13 =	veq.s32 v5, $0x4;
	vm14 =	veq.s32 v5, $0x5;
	v57 =	vpop (erf)  }
0xd7: {  	[tilespmem:s18+$0x0] =	vst v5;
	vm15 =	veq.s32 v5, $0x6;
	v58 =	vsel vm0, $0x3F800000, v1;
	v11 =	vmul.f32 v56, v57  }
0xd8: {  	vm8 =	vmor vm8, vm14;
	vm1 =	vmor vm4, vm1;
	vm12 =	vmor vm5, vm12;
	[tilespmem:s0+$0x0] =	vst v57  }
0xd9: {  	v2 =	vadd.f32 v58, v2;
	vm13 =	vmor vm6, vm13;
	v59 =	vsel vm1, $0x3F800000, v1;
	[tilespmem:s1+$0x0] =	vst v11  }
0xda: {  	vm14 =	vmor vm7, vm15;
	v60 =	vsel vm12, $0x3F800000, v1;
	v6 =	vadd.f32 v59, v6;
	[tilespmem:$0x3000] =	vst v10  }
0xdb: {  	vm15 =	veq.s32 v5, $0x7;
	v61 =	vsel vm13, $0x3F800000, v1;
	v8 =	vadd.f32 v60, v8;
	[tilespmem:$0x3010] =	vst v2  }
0xdc: {  	v62 =	vsel vm14, $0x3F800000, v1;
	vm0 =	vmor vm3, vm15;
	v3 =	vadd.f32 v61, v3;
	[tilespmem:$0x3020] =	vst v6  }
0xdd: {  	v5 =	vadd.f32 v62, v7;
	v63 =	vsel vm0, $0x3F800000, v1;
	[tilespmem:$0x3030] =	vst v8  }
0xde: {  	v2 =	vsel vm8, $0x3F800000, v1;
	[tilespmem:$0x3040] =	vst v3;
	v3 =	vadd.f32 v63, v4  }
0xdf: {  	[tilespmem:$0x3060] =	vst v5;
	v2 =	vadd.f32 v2, v9  }
0xe0: {  	[tilespmem:$0x3070] =	vst v3  }
0xe1: {  	[tilespmem:$0x3050] =	vst v2  }
0xe2: {  	[hbm4b:s11+s2] =	stream.linear.scatter [tilespmem:s25], [sflag:$0x1], $0x400, $0x38;
	[tilespmem:$0x3080] =	vst v63  }
0xe3: {  	_ =	swait.ge [sflag:s17], $0x400  }
0xe4: {  	[sflag:s17] =	ssyncset.done $0x0  }
0xe5: {  	s26 =	simm.s32 $0x2400;
	[sflag:s17] =	ssyncadd.s32 $0xFFFFFC00  }
0xe6: {  	[hbm4b:s12+s2] =	stream.linear.scatter [tilespmem:s26], [sflag:$0x1], $0x400, $0x38;
	[tilespmem:$0x3080] =	vst v63  }
0xe7: {  	_ =	swait.ge [sflag:s17], $0x400  }
0xe8: {  	[sflag:s17] =	ssyncset.done $0x0  }
0xe9: {  	s28 =	simm.s32 $0x2800;
	[sflag:s17] =	ssyncadd.s32 $0xFFFFFC00  }
0xea: {  	[hbm4b:s13+s2] =	stream.linear.scatter [tilespmem:s28], [sflag:$0x1], $0x400, $0x38;
	[tilespmem:$0x3080] =	vst v63  }
0xeb: {  	_ =	swait.ge [sflag:s17], $0x400  }
0xec: {  	[sflag:s17] =	ssyncset.done $0x0  }
0xed: {  	s29 =	simm.s32 $0x2C00;
	[sflag:s17] =	ssyncadd.s32 $0xFFFFFC00  }
0xee: {  	[hbm4b:s14+s2] =	stream.linear.scatter [tilespmem:s29], [sflag:$0x1], $0x400, $0x38;
	[tilespmem:$0x3080] =	vst v63  }
0xef: {  	s31 =	sadd.s32 $0x1, s31;
	_ =	swait.ge [sflag:s17], $0x400  }
0xf0: {  	p0 =	sne.s32 s31, s16;
	[sflag:s17] =	ssyncset.done $0x0  }
.Ltmp1:
0xf1: {  	s30 =	simm.s32 $0x3000;
	[sflag:s17] =	ssyncadd.s32 $0xFFFFFC00;
	(pc) =	sbr.rel @p0 .LBB2_1-.Ltmp1, $4  }
0xf2: {  	[hbm4b:s15+s2] =	stream.linear.scatter [tilespmem:s30], [sflag:$0x1], $0x80, $0x38;
	[tilespmem:$0x3080] =	vst v63  }
0xf3: {  	_ =	swait.ge [sflag:s17], $0x80  }
0xf4: {  	[sflag:s17] =	ssyncset.done $0x0  }
0xf5: {  	[sflag:s17] =	ssyncadd.s32 $0xFFFFFF80  }
0xf6: {  	_ =	sfence.sel $0x180000  }
0xf7: {  	[bflag:$0x0] =	sbarrier.arrive $0xFFFF  }
0xf8: {  	_ =	strace $0x90000047  }
0xf9: {  	s0 =	stileid.u32;
	[bflag:$0x2] =	sbarrier.arrive $0xFFFF  }
0xfa: {  	p0 =	sne.s32 s0, $0x0;
	s0 =	rddreg [dreg:$0x3]  }
0xfb: {  	s0 =	sadd.s32 @!p0 $0x100000, s0  }
0xfc: {  	[sflag:s0] =	ssyncadd.tile.s32 @!p0 $0x1;
	_ =	shalt  }
.Lfunc_end2:
_tile_overlayer_lowered:
.L_overlay_start_2:
0xfd: {  	(tag) =	ssettag $0x2  }
0xfe: {  	s0 =	rddreg [dreg:$0x0];
	s2 =	stileid.u32  }
0xff: {  	s1 =	rddreg [dreg:$0x1];
	p0 =	sne.s32 s2, $0x0  }
0x100: {  	s3 =	rddreg [dreg:$0x2];
	[bflag:$0x3] =	sbarrier.arrive $0xFFFF;
	s2 =	simm.s32 @!p0 $0x1C01  }
0x101: {  	[timem:s3], [sflag:s2] =	dma.local @!p0 [hbm:s0], s1  }
0x102: {  	s0 =	simm.s32 @!p0 $0x1  }
0x103: {  	_ =	swait.ge @!p0 [sflag:s0], s1  }
0x104: {  	s1 =	ssub.s32 @!p0 $0x0, s1;
	[sflag:s0] =	ssyncset.done @!p0 $0x0  }
0x105: {  	[sflag:s0] =	ssyncadd.s32 @!p0 s1  }
0x106: {  	[bflag:$0x3] =	sbarrier.arrive $0xFFFF  }
0x107: {  	_ =	shalt  }

</sc_bundles>
